<compile_context>
chip_gen: v7x
topology: tpu7x:2x2x1
jax: 0.10.2.dev20260603
libtpu: 0.0.44.dev20260713+nightly
codegen_flags: <defaults>
</compile_context>

<pallas_src>
import jax
import jax.numpy as jnp
from jax import lax
from jax.experimental import pallas as pl
from jax.experimental.pallas import tpu as pltpu
from jax.experimental.pallas import tpu_sc as plsc

NUM_CORES = 2
NUM_SUBCORES = 16
LANES = 16
NW = NUM_CORES * NUM_SUBCORES
B = 16384
E = 64
N = 100000
PACKC = 16384
BPW = B // NW
CHUNK = 128
NCHUNK = BPW // CHUNK

_SC_MESH = dict(core_axis_name="c", subcore_axis_name="s",
                num_cores=NUM_CORES, num_subcores=NUM_SUBCORES)
_SC_PARAMS = pltpu.CompilerParams(use_tc_tiling_on_sc=False)



def _pack_body(ut_ref, mt_ref, out_ref):
    x = jnp.concatenate([ut_ref[...], mt_ref[...]], axis=0)
    hi = x.astype(jnp.bfloat16)
    lo = (x - hi.astype(jnp.float32)).astype(jnp.bfloat16)
    x2 = jnp.concatenate([hi, lo], axis=0)
    ii = lax.broadcasted_iota(jnp.int32, (4 * E, 2 * E), 0)
    jj = lax.broadcasted_iota(jnp.int32, (4 * E, 2 * E), 1)
    eye2 = ((ii == jj) | (ii == jj + 2 * E)).astype(jnp.bfloat16)
    out_ref[...] = lax.dot_general(
        x2, eye2, dimension_numbers=(((0,), (0,)), ((), ())),
        preferred_element_type=jnp.float32)


def _pack_call(uembT, membT):
    grid = (N + PACKC - 1) // PACKC
    return pl.pallas_call(
        _pack_body,
        grid=(grid,),
        in_specs=[
            pl.BlockSpec((E, PACKC), lambda i: (0, i)),
            pl.BlockSpec((E, PACKC), lambda i: (0, i)),
        ],
        out_specs=pl.BlockSpec((PACKC, 2 * E), lambda i: (i, 0)),
        out_shape=jax.ShapeDtypeStruct((N, 2 * E), jnp.float32),
    )(uembT, membT)



def _sc_body(uidx_hbm, midx_hbm, packed_hbm, bias_hbm,
             partials_hbm, bsum_hbm,
             uidx_v, midx_v, midxb_v, urows0_v, mrows0_v, urows1_v, mrows1_v,
             ub_v, mb_v, bsum_v, pacc_v,
             sem0, sem1, bias_sem):
    wid = lax.axis_index("s") * NUM_CORES + lax.axis_index("c")
    base = wid * BPW

    pltpu.sync_copy(uidx_hbm.at[pl.ds(wid * NCHUNK, NCHUNK)], uidx_v)
    pltpu.sync_copy(midx_hbm.at[pl.ds(wid * NCHUNK, NCHUNK)], midx_v)

    for j in range(NCHUNK):
        for hh in range(CHUNK // LANES):
            sl = pl.ds(hh * LANES, LANES)
            midxb_v[j, sl] = midx_v[j, sl] + N
    bias_copies = []
    for j in range(NCHUNK):
        sl = pl.ds(j * CHUNK, CHUNK)
        bias_copies.append(pltpu.async_copy(
            bias_hbm.at[uidx_v.at[j]], ub_v.at[sl], bias_sem))
        bias_copies.append(pltpu.async_copy(
            bias_hbm.at[midxb_v.at[j]], mb_v.at[sl], bias_sem))

    bufs = ((urows0_v, mrows0_v, sem0), (urows1_v, mrows1_v, sem1))

    def fire(q):
        urows_v, mrows_v, sem = bufs[q % 2]
        return (pltpu.async_copy(
                    packed_hbm.at[uidx_v.at[q]], urows_v, sem),
                pltpu.async_copy(
                    packed_hbm.at[midx_v.at[q]], mrows_v, sem))

    zero = jnp.zeros((LANES,), jnp.float32)
    accs = (zero, zero, zero, zero)
    inflight = [fire(0), fire(1)]
    for q in range(NCHUNK):
        urows_v, mrows_v, sem = bufs[q % 2]
        for cp in inflight[q]:
            cp.wait()

        def row_body(i, acc, urows_v=urows_v, mrows_v=mrows_v):
            out = []
            for j in range(E // LANES):
                usl = pl.ds(j * LANES, LANES)
                msl = pl.ds(E + j * LANES, LANES)
                out.append(acc[j] + urows_v[i, usl] * mrows_v[i, msl])
            return tuple(out)

        accs = lax.fori_loop(0, CHUNK, row_body, accs)
        if q + 2 < NCHUNK:
            inflight.append(fire(q + 2))

    pacc_v[...] = (accs[0] + accs[1]) + (accs[2] + accs[3])
    pltpu.sync_copy(pacc_v, partials_hbm.at[wid])

    for cp in bias_copies:
        cp.wait()
    for k in range(BPW // LANES):
        sl = pl.ds(k * LANES, LANES)
        bsum_v[sl] = ub_v[sl] + mb_v[sl]
    pltpu.sync_copy(bsum_v, bsum_hbm.at[pl.ds(base, BPW)])


def _sc_call(uidx, midx, packed, bias_both):
    return pl.kernel(
        _sc_body,
        out_type=(
            jax.ShapeDtypeStruct((NW, LANES), jnp.float32),
            jax.ShapeDtypeStruct((B,), jnp.float32),
        ),
        mesh=plsc.VectorSubcoreMesh(**_SC_MESH),
        compiler_params=_SC_PARAMS,
        scratch_types=[
            pltpu.VMEM((NCHUNK, CHUNK), jnp.int32),
            pltpu.VMEM((NCHUNK, CHUNK), jnp.int32),
            pltpu.VMEM((NCHUNK, CHUNK), jnp.int32),
            pltpu.VMEM((CHUNK, 2 * E), jnp.float32),
            pltpu.VMEM((CHUNK, 2 * E), jnp.float32),
            pltpu.VMEM((CHUNK, 2 * E), jnp.float32),
            pltpu.VMEM((CHUNK, 2 * E), jnp.float32),
            pltpu.VMEM((BPW,), jnp.float32),
            pltpu.VMEM((BPW,), jnp.float32),
            pltpu.VMEM((BPW,), jnp.float32),
            pltpu.VMEM((LANES,), jnp.float32),
            pltpu.SemaphoreType.DMA,
            pltpu.SemaphoreType.DMA,
            pltpu.SemaphoreType.DMA,
        ],
    )(uidx, midx, packed, bias_both)



def _tc_body(partials_ref, bsum_ref, out_ref):
    s = jnp.sum(partials_ref[...])
    out_ref[...] = jax.nn.sigmoid(bsum_ref[...] + s)


def _tc_call(partials, bsum2d):
    return pl.pallas_call(
        _tc_body,
        out_shape=jax.ShapeDtypeStruct(bsum2d.shape, jnp.float32),
    )(partials, bsum2d)


def kernel(inputs, user_emb, user_bias_tab, movie_emb, movie_bias_tab):
    uidx = inputs[:, 0].reshape(NW * NCHUNK, CHUNK)
    midx = inputs[:, 1].reshape(NW * NCHUNK, CHUNK)
    bias_both = jnp.concatenate(
        [user_bias_tab.reshape(-1), movie_bias_tab.reshape(-1)])
    packed = _pack_call(user_emb.T, movie_emb.T)
    partials, bsum = _sc_call(uidx, midx, packed, bias_both)
    y = _tc_call(partials, bsum.reshape(128, 128))
    return y.reshape(B, 1)

# --- scband reference (transcript-rebuilt; emitter-appended) ---
"""Pipeline reference for scband-collaborative-filtering-model-13374528159863 (READ-ONLY COPY).

The authoritative reference and input builder live on the scoring server;
editing this copy changes nothing except your own understanding.
"""

import jax, jax.numpy as jnp
import numpy as np

NUM_USERS = 100000
NUM_MOVIES = 100000
EMBED = 64
BATCH = 16384


def setup_inputs(seed: int = 0) -> dict:
    key = jax.random.key(seed)
    k1, k2, k3, k4, k5 = jax.random.split(key, 5)
    inputs = jax.random.randint(k1, (BATCH, 2), 0, NUM_USERS, dtype=jnp.int64 if jax.config.jax_enable_x64 else jnp.int32).astype(jnp.int32)
    # he_normal for embeddings (fan_in = num rows is not how keras does it; keras Embedding he_normal uses fan_in=input_dim of the kernel, approximate with stddev sqrt(2/embed))
    user_emb = jax.random.normal(k2, (NUM_USERS, EMBED), dtype=jnp.float32) * np.sqrt(2.0 / EMBED)
    movie_emb = jax.random.normal(k3, (NUM_MOVIES, EMBED), dtype=jnp.float32) * np.sqrt(2.0 / EMBED)
    user_bias_tab = jax.random.uniform(k4, (NUM_USERS, 1), dtype=jnp.float32, minval=-0.05, maxval=0.05)
    movie_bias_tab = jax.random.uniform(k5, (NUM_MOVIES, 1), dtype=jnp.float32, minval=-0.05, maxval=0.05)
    return {"inputs": inputs, "user_emb": user_emb, "user_bias_tab": user_bias_tab, "movie_emb": movie_emb, "movie_bias_tab": movie_bias_tab}


def reference(inputs, user_emb, user_bias_tab, movie_emb, movie_bias_tab):
    user_idx = inputs[:, 0]
    movie_idx = inputs[:, 1]
    user_vec = jnp.take(user_emb, user_idx, axis=0)          # [B, E]
    user_bias = jnp.take(user_bias_tab, user_idx, axis=0)    # [B, 1]
    movie_vec = jnp.take(movie_emb, movie_idx, axis=0)       # [B, E]
    movie_bias = jnp.take(movie_bias_tab, movie_idx, axis=0) # [B, 1]
    # tf.tensordot(user_vec, movie_vec, 2) contracts BOTH axes -> scalar (faithful to original)
    dot_prod = jnp.tensordot(user_vec, movie_vec, 2)
    x = dot_prod + user_bias + movie_bias                    # broadcast scalar -> [B, 1]
    return jax.nn.sigmoid(x)

if __name__ == "__main__":
    import jax
    _d = setup_inputs()
    print(jax.jit(kernel)(*tuple(_d.values())))

</pallas_src>

<mosaic_0001>
#map = affine_map<(d0, d1) -> (0, 0)>
#map1 = affine_map<(d0, d1) -> (0)>
module attributes {stable_mosaic.version = 14 : i64} {
  func.func @_sc_body(%arg0: i32, %arg1: i32, %arg2: memref<128x128xi32, #tpu.memory_space<hbm>>, %arg3: memref<128x128xi32, #tpu.memory_space<hbm>>, %arg4: memref<100000x128xf32, #tpu.memory_space<hbm>>, %arg5: memref<200000xf32, #tpu.memory_space<hbm>>, %arg6: memref<32x16xf32, #tpu.memory_space<hbm>>, %arg7: memref<16384xf32, #tpu.memory_space<hbm>>, %arg8: memref<4x128xi32, #tpu.memory_space<vmem>>, %arg9: memref<4x128xi32, #tpu.memory_space<vmem>>, %arg10: memref<4x128xi32, #tpu.memory_space<vmem>>, %arg11: memref<128x128xf32, #tpu.memory_space<vmem>>, %arg12: memref<128x128xf32, #tpu.memory_space<vmem>>, %arg13: memref<128x128xf32, #tpu.memory_space<vmem>>, %arg14: memref<128x128xf32, #tpu.memory_space<vmem>>, %arg15: memref<512xf32, #tpu.memory_space<vmem>>, %arg16: memref<512xf32, #tpu.memory_space<vmem>>, %arg17: memref<512xf32, #tpu.memory_space<vmem>>, %arg18: memref<16xf32, #tpu.memory_space<vmem>>, %arg19: memref<!tpu.dma_semaphore, #tpu.memory_space<semaphore_mem>>, %arg20: memref<!tpu.dma_semaphore, #tpu.memory_space<semaphore_mem>>, %arg21: memref<!tpu.dma_semaphore, #tpu.memory_space<semaphore_mem>>) attributes {dimension_semantics = [#tpu.dimension_semantics<core_parallel>, #tpu.dimension_semantics<subcore_parallel>], iteration_bounds = array<i64: 2, 16>, scalar_prefetch = 0 : i64, scratch_operands = 14 : i64, tpu.core_type = #tpu.core_type<sc_vector_subcore>, window_params = [{transform_indices = #map}, {transform_indices = #map}, {transform_indices = #map}, {transform_indices = #map1}, {transform_indices = #map}, {transform_indices = #map1}]} {
    %mul3A = arith.constant 2 : i32
    %mul3A_0 = arith.muli %arg1, %mul3A : i32
    %add3A = arith.addi %mul3A_0, %arg0 : i32
    %mul3A_1 = arith.constant 512 : i32
    %mul3A_2 = arith.muli %add3A, %mul3A_1 : i32
    %mul3A_3 = arith.constant 4 : i32
    %mul3A_4 = arith.muli %add3A, %mul3A_3 : i32
    "tpu.region"() ({
      %run_scoped3A = tpu.sem_alloc : memref<!tpu.dma_semaphore, #tpu.memory_space<semaphore_mem>>
      %dma_start3A_1074 = arith.constant 0 : i32
      %dma_start3A_1075 = tpu.memref_slice %arg2[%mul3A_4, %dma_start3A_1074] : memref<128x128xi32, #tpu.memory_space<hbm>> -> memref<4x128xi32, #tpu.memory_space<hbm>>
      %dma_start3A_1076 = arith.constant 0 : i32
      %dma_start3A_1077 = tpu.memref_slice %arg2[%mul3A_4, %dma_start3A_1076] : memref<128x128xi32, #tpu.memory_space<hbm>> -> memref<4x128xi32, #tpu.memory_space<hbm>>
      tpu.enqueue_dma source(%dma_start3A_1077 : memref<4x128xi32, #tpu.memory_space<hbm>>) target(%arg8 : memref<4x128xi32, #tpu.memory_space<vmem>>) target_semaphore(%run_scoped3A : memref<!tpu.dma_semaphore, #tpu.memory_space<semaphore_mem>>)
      %dma_wait3A_1078 = arith.constant 0 : i32
      %dma_wait3A_1079 = tpu.memref_slice %arg2[%mul3A_4, %dma_wait3A_1078] : memref<128x128xi32, #tpu.memory_space<hbm>> -> memref<4x128xi32, #tpu.memory_space<hbm>>
      %dma_wait3A_1080 = arith.constant 0 : i32
      %dma_wait3A_1081 = tpu.memref_slice %arg2[%mul3A_4, %dma_wait3A_1080] : memref<128x128xi32, #tpu.memory_space<hbm>> -> memref<4x128xi32, #tpu.memory_space<hbm>>
      tpu.wait_dma2 semaphore(%run_scoped3A : memref<!tpu.dma_semaphore, #tpu.memory_space<semaphore_mem>>) src(%dma_wait3A_1081 : memref<4x128xi32, #tpu.memory_space<hbm>>) dst(%arg8 : memref<4x128xi32, #tpu.memory_space<vmem>>)
      tpu.yield
    }) : () -> ()
    %mul3A_5 = arith.constant 4 : i32
    %mul3A_6 = arith.muli %add3A, %mul3A_5 : i32
    "tpu.region"() ({
      %run_scoped3A = tpu.sem_alloc : memref<!tpu.dma_semaphore, #tpu.memory_space<semaphore_mem>>
      %dma_start3A_1074 = arith.constant 0 : i32
      %dma_start3A_1075 = tpu.memref_slice %arg3[%mul3A_6, %dma_start3A_1074] : memref<128x128xi32, #tpu.memory_space<hbm>> -> memref<4x128xi32, #tpu.memory_space<hbm>>
      %dma_start3A_1076 = arith.constant 0 : i32
      %dma_start3A_1077 = tpu.memref_slice %arg3[%mul3A_6, %dma_start3A_1076] : memref<128x128xi32, #tpu.memory_space<hbm>> -> memref<4x128xi32, #tpu.memory_space<hbm>>
      tpu.enqueue_dma source(%dma_start3A_1077 : memref<4x128xi32, #tpu.memory_space<hbm>>) target(%arg9 : memref<4x128xi32, #tpu.memory_space<vmem>>) target_semaphore(%run_scoped3A : memref<!tpu.dma_semaphore, #tpu.memory_space<semaphore_mem>>)
      %dma_wait3A_1078 = arith.constant 0 : i32
      %dma_wait3A_1079 = tpu.memref_slice %arg3[%mul3A_6, %dma_wait3A_1078] : memref<128x128xi32, #tpu.memory_space<hbm>> -> memref<4x128xi32, #tpu.memory_space<hbm>>
      %dma_wait3A_1080 = arith.constant 0 : i32
      %dma_wait3A_1081 = tpu.memref_slice %arg3[%mul3A_6, %dma_wait3A_1080] : memref<128x128xi32, #tpu.memory_space<hbm>> -> memref<4x128xi32, #tpu.memory_space<hbm>>
      tpu.wait_dma2 semaphore(%run_scoped3A : memref<!tpu.dma_semaphore, #tpu.memory_space<semaphore_mem>>) src(%dma_wait3A_1081 : memref<4x128xi32, #tpu.memory_space<hbm>>) dst(%arg9 : memref<4x128xi32, #tpu.memory_space<vmem>>)
      tpu.yield
    }) : () -> ()
    %get3A = arith.constant 0 : i32
    %get3A_7 = arith.index_cast %get3A : i32 to index
    %get3A_8 = arith.constant 0 : index
    %get3A_9 = tpu.vector_load %arg9[%get3A_7, %get3A_8] {strides = array<i32>} : memref<4x128xi32, #tpu.memory_space<vmem>>, vector<1x16xi32>,
    %get3A_10 = vector.shape_cast %get3A_9 : vector<1x16xi32> to vector<16xi32>
    %add3A_11 = arith.constant 100000 : i32
    %add3A_12 = vector.broadcast %add3A_11 : i32 to vector<16xi32>
    %add3A_13 = arith.addi %get3A_10, %add3A_12 : vector<16xi32>
    %swap3A = arith.constant 0 : i32
    %swap3A_14 = arith.index_cast %swap3A : i32 to index
    %swap3A_15 = arith.constant 0 : index
    %swap3A_16 = tpu.vector_load %arg10[%swap3A_14, %swap3A_15] {strides = array<i32>} : memref<4x128xi32, #tpu.memory_space<vmem>>, vector<1x16xi32>,
    %swap3A_17 = vector.shape_cast %swap3A_16 : vector<1x16xi32> to vector<16xi32>
    %swap3A_18 = vector.shape_cast %add3A_13 : vector<16xi32> to vector<1x16xi32>
    tpu.vector_store %arg10[%swap3A_14, %swap3A_15], %swap3A_18 {strides = array<i32>} : memref<4x128xi32, #tpu.memory_space<vmem>>, vector<1x16xi32>,
    %get3A_19 = arith.constant 0 : i32
    %get3A_20 = arith.index_cast %get3A_19 : i32 to index
    %get3A_21 = arith.constant 16 : index
    %get3A_22 = tpu.vector_load %arg9[%get3A_20, %get3A_21] {strides = array<i32>} : memref<4x128xi32, #tpu.memory_space<vmem>>, vector<1x16xi32>,
    %get3A_23 = vector.shape_cast %get3A_22 : vector<1x16xi32> to vector<16xi32>
    %add3A_24 = arith.constant 100000 : i32
    %add3A_25 = vector.broadcast %add3A_24 : i32 to vector<16xi32>
    %add3A_26 = arith.addi %get3A_23, %add3A_25 : vector<16xi32>
    %swap3A_27 = arith.constant 0 : i32
    %swap3A_28 = arith.index_cast %swap3A_27 : i32 to index
    %swap3A_29 = arith.constant 16 : index
    %swap3A_30 = tpu.vector_load %arg10[%swap3A_28, %swap3A_29] {strides = array<i32>} : memref<4x128xi32, #tpu.memory_space<vmem>>, vector<1x16xi32>,
    %swap3A_31 = vector.shape_cast %swap3A_30 : vector<1x16xi32> to vector<16xi32>
    %swap3A_32 = vector.shape_cast %add3A_26 : vector<16xi32> to vector<1x16xi32>
    tpu.vector_store %arg10[%swap3A_28, %swap3A_29], %swap3A_32 {strides = array<i32>} : memref<4x128xi32, #tpu.memory_space<vmem>>, vector<1x16xi32>,
    %get3A_33 = arith.constant 0 : i32
    %get3A_34 = arith.index_cast %get3A_33 : i32 to index
    %get3A_35 = arith.constant 32 : index
    %get3A_36 = tpu.vector_load %arg9[%get3A_34, %get3A_35] {strides = array<i32>} : memref<4x128xi32, #tpu.memory_space<vmem>>, vector<1x16xi32>,
    %get3A_37 = vector.shape_cast %get3A_36 : vector<1x16xi32> to vector<16xi32>
    %add3A_38 = arith.constant 100000 : i32
    %add3A_39 = vector.broadcast %add3A_38 : i32 to vector<16xi32>
    %add3A_40 = arith.addi %get3A_37, %add3A_39 : vector<16xi32>
    %swap3A_41 = arith.constant 0 : i32
    %swap3A_42 = arith.index_cast %swap3A_41 : i32 to index
    %swap3A_43 = arith.constant 32 : index
    %swap3A_44 = tpu.vector_load %arg10[%swap3A_42, %swap3A_43] {strides = array<i32>} : memref<4x128xi32, #tpu.memory_space<vmem>>, vector<1x16xi32>,
    %swap3A_45 = vector.shape_cast %swap3A_44 : vector<1x16xi32> to vector<16xi32>
    %swap3A_46 = vector.shape_cast %add3A_40 : vector<16xi32> to vector<1x16xi32>
    tpu.vector_store %arg10[%swap3A_42, %swap3A_43], %swap3A_46 {strides = array<i32>} : memref<4x128xi32, #tpu.memory_space<vmem>>, vector<1x16xi32>,
    %get3A_47 = arith.constant 0 : i32
    %get3A_48 = arith.index_cast %get3A_47 : i32 to index
    %get3A_49 = arith.constant 48 : index
    %get3A_50 = tpu.vector_load %arg9[%get3A_48, %get3A_49] {strides = array<i32>} : memref<4x128xi32, #tpu.memory_space<vmem>>, vector<1x16xi32>,
    %get3A_51 = vector.shape_cast %get3A_50 : vector<1x16xi32> to vector<16xi32>
    %add3A_52 = arith.constant 100000 : i32
    %add3A_53 = vector.broadcast %add3A_52 : i32 to vector<16xi32>
    %add3A_54 = arith.addi %get3A_51, %add3A_53 : vector<16xi32>
    %swap3A_55 = arith.constant 0 : i32
    %swap3A_56 = arith.index_cast %swap3A_55 : i32 to index
    %swap3A_57 = arith.constant 48 : index
    %swap3A_58 = tpu.vector_load %arg10[%swap3A_56, %swap3A_57] {strides = array<i32>} : memref<4x128xi32, #tpu.memory_space<vmem>>, vector<1x16xi32>,
    %swap3A_59 = vector.shape_cast %swap3A_58 : vector<1x16xi32> to vector<16xi32>
    %swap3A_60 = vector.shape_cast %add3A_54 : vector<16xi32> to vector<1x16xi32>
    tpu.vector_store %arg10[%swap3A_56, %swap3A_57], %swap3A_60 {strides = array<i32>} : memref<4x128xi32, #tpu.memory_space<vmem>>, vector<1x16xi32>,
    %get3A_61 = arith.constant 0 : i32
    %get3A_62 = arith.index_cast %get3A_61 : i32 to index
    %get3A_63 = arith.constant 64 : index
    %get3A_64 = tpu.vector_load %arg9[%get3A_62, %get3A_63] {strides = array<i32>} : memref<4x128xi32, #tpu.memory_space<vmem>>, vector<1x16xi32>,
    %get3A_65 = vector.shape_cast %get3A_64 : vector<1x16xi32> to vector<16xi32>
    %add3A_66 = arith.constant 100000 : i32
    %add3A_67 = vector.broadcast %add3A_66 : i32 to vector<16xi32>
    %add3A_68 = arith.addi %get3A_65, %add3A_67 : vector<16xi32>
    %swap3A_69 = arith.constant 0 : i32
    %swap3A_70 = arith.index_cast %swap3A_69 : i32 to index
    %swap3A_71 = arith.constant 64 : index
    %swap3A_72 = tpu.vector_load %arg10[%swap3A_70, %swap3A_71] {strides = array<i32>} : memref<4x128xi32, #tpu.memory_space<vmem>>, vector<1x16xi32>,
    %swap3A_73 = vector.shape_cast %swap3A_72 : vector<1x16xi32> to vector<16xi32>
    %swap3A_74 = vector.shape_cast %add3A_68 : vector<16xi32> to vector<1x16xi32>
    tpu.vector_store %arg10[%swap3A_70, %swap3A_71], %swap3A_74 {strides = array<i32>} : memref<4x128xi32, #tpu.memory_space<vmem>>, vector<1x16xi32>,
    %get3A_75 = arith.constant 0 : i32
    %get3A_76 = arith.index_cast %get3A_75 : i32 to index
    %get3A_77 = arith.constant 80 : index
    %get3A_78 = tpu.vector_load %arg9[%get3A_76, %get3A_77] {strides = array<i32>} : memref<4x128xi32, #tpu.memory_space<vmem>>, vector<1x16xi32>,
    %get3A_79 = vector.shape_cast %get3A_78 : vector<1x16xi32> to vector<16xi32>
    %add3A_80 = arith.constant 100000 : i32
    %add3A_81 = vector.broadcast %add3A_80 : i32 to vector<16xi32>
    %add3A_82 = arith.addi %get3A_79, %add3A_81 : vector<16xi32>
    %swap3A_83 = arith.constant 0 : i32
    %swap3A_84 = arith.index_cast %swap3A_83 : i32 to index
    %swap3A_85 = arith.constant 80 : index
    %swap3A_86 = tpu.vector_load %arg10[%swap3A_84, %swap3A_85] {strides = array<i32>} : memref<4x128xi32, #tpu.memory_space<vmem>>, vector<1x16xi32>,
    %swap3A_87 = vector.shape_cast %swap3A_86 : vector<1x16xi32> to vector<16xi32>
    %swap3A_88 = vector.shape_cast %add3A_82 : vector<16xi32> to vector<1x16xi32>
    tpu.vector_store %arg10[%swap3A_84, %swap3A_85], %swap3A_88 {strides = array<i32>} : memref<4x128xi32, #tpu.memory_space<vmem>>, vector<1x16xi32>,
    %get3A_89 = arith.constant 0 : i32
    %get3A_90 = arith.index_cast %get3A_89 : i32 to index
    %get3A_91 = arith.constant 96 : index
    %get3A_92 = tpu.vector_load %arg9[%get3A_90, %get3A_91] {strides = array<i32>} : memref<4x128xi32, #tpu.memory_space<vmem>>, vector<1x16xi32>,
    %get3A_93 = vector.shape_cast %get3A_92 : vector<1x16xi32> to vector<16xi32>
    %add3A_94 = arith.constant 100000 : i32
    %add3A_95 = vector.broadcast %add3A_94 : i32 to vector<16xi32>
    %add3A_96 = arith.addi %get3A_93, %add3A_95 : vector<16xi32>
    %swap3A_97 = arith.constant 0 : i32
    %swap3A_98 = arith.index_cast %swap3A_97 : i32 to index
    %swap3A_99 = arith.constant 96 : index
    %swap3A_100 = tpu.vector_load %arg10[%swap3A_98, %swap3A_99] {strides = array<i32>} : memref<4x128xi32, #tpu.memory_space<vmem>>, vector<1x16xi32>,
    %swap3A_101 = vector.shape_cast %swap3A_100 : vector<1x16xi32> to vector<16xi32>
    %swap3A_102 = vector.shape_cast %add3A_96 : vector<16xi32> to vector<1x16xi32>
    tpu.vector_store %arg10[%swap3A_98, %swap3A_99], %swap3A_102 {strides = array<i32>} : memref<4x128xi32, #tpu.memory_space<vmem>>, vector<1x16xi32>,
    %get3A_103 = arith.constant 0 : i32
    %get3A_104 = arith.index_cast %get3A_103 : i32 to index
    %get3A_105 = arith.constant 112 : index
    %get3A_106 = tpu.vector_load %arg9[%get3A_104, %get3A_105] {strides = array<i32>} : memref<4x128xi32, #tpu.memory_space<vmem>>, vector<1x16xi32>,
    %get3A_107 = vector.shape_cast %get3A_106 : vector<1x16xi32> to vector<16xi32>
    %add3A_108 = arith.constant 100000 : i32
    %add3A_109 = vector.broadcast %add3A_108 : i32 to vector<16xi32>
    %add3A_110 = arith.addi %get3A_107, %add3A_109 : vector<16xi32>
    %swap3A_111 = arith.constant 0 : i32
    %swap3A_112 = arith.index_cast %swap3A_111 : i32 to index
    %swap3A_113 = arith.constant 112 : index
    %swap3A_114 = tpu.vector_load %arg10[%swap3A_112, %swap3A_113] {strides = array<i32>} : memref<4x128xi32, #tpu.memory_space<vmem>>, vector<1x16xi32>,
    %swap3A_115 = vector.shape_cast %swap3A_114 : vector<1x16xi32> to vector<16xi32>
    %swap3A_116 = vector.shape_cast %add3A_110 : vector<16xi32> to vector<1x16xi32>
    tpu.vector_store %arg10[%swap3A_112, %swap3A_113], %swap3A_116 {strides = array<i32>} : memref<4x128xi32, #tpu.memory_space<vmem>>, vector<1x16xi32>,
    %get3A_117 = arith.constant 1 : i32
    %get3A_118 = arith.index_cast %get3A_117 : i32 to index
    %get3A_119 = arith.constant 0 : index
    %get3A_120 = tpu.vector_load %arg9[%get3A_118, %get3A_119] {strides = array<i32>} : memref<4x128xi32, #tpu.memory_space<vmem>>, vector<1x16xi32>,
    %get3A_121 = vector.shape_cast %get3A_120 : vector<1x16xi32> to vector<16xi32>
    %add3A_122 = arith.constant 100000 : i32
    %add3A_123 = vector.broadcast %add3A_122 : i32 to vector<16xi32>
    %add3A_124 = arith.addi %get3A_121, %add3A_123 : vector<16xi32>
    %swap3A_125 = arith.constant 1 : i32
    %swap3A_126 = arith.index_cast %swap3A_125 : i32 to index
    %swap3A_127 = arith.constant 0 : index
    %swap3A_128 = tpu.vector_load %arg10[%swap3A_126, %swap3A_127] {strides = array<i32>} : memref<4x128xi32, #tpu.memory_space<vmem>>, vector<1x16xi32>,
    %swap3A_129 = vector.shape_cast %swap3A_128 : vector<1x16xi32> to vector<16xi32>
    %swap3A_130 = vector.shape_cast %add3A_124 : vector<16xi32> to vector<1x16xi32>
    tpu.vector_store %arg10[%swap3A_126, %swap3A_127], %swap3A_130 {strides = array<i32>} : memref<4x128xi32, #tpu.memory_space<vmem>>, vector<1x16xi32>,
    %get3A_131 = arith.constant 1 : i32
    %get3A_132 = arith.index_cast %get3A_131 : i32 to index
    %get3A_133 = arith.constant 16 : index
    %get3A_134 = tpu.vector_load %arg9[%get3A_132, %get3A_133] {strides = array<i32>} : memref<4x128xi32, #tpu.memory_space<vmem>>, vector<1x16xi32>,
    %get3A_135 = vector.shape_cast %get3A_134 : vector<1x16xi32> to vector<16xi32>
    %add3A_136 = arith.constant 100000 : i32
    %add3A_137 = vector.broadcast %add3A_136 : i32 to vector<16xi32>
    %add3A_138 = arith.addi %get3A_135, %add3A_137 : vector<16xi32>
    %swap3A_139 = arith.constant 1 : i32
    %swap3A_140 = arith.index_cast %swap3A_139 : i32 to index
    %swap3A_141 = arith.constant 16 : index
    %swap3A_142 = tpu.vector_load %arg10[%swap3A_140, %swap3A_141] {strides = array<i32>} : memref<4x128xi32, #tpu.memory_space<vmem>>, vector<1x16xi32>,
    %swap3A_143 = vector.shape_cast %swap3A_142 : vector<1x16xi32> to vector<16xi32>
    %swap3A_144 = vector.shape_cast %add3A_138 : vector<16xi32> to vector<1x16xi32>
    tpu.vector_store %arg10[%swap3A_140, %swap3A_141], %swap3A_144 {strides = array<i32>} : memref<4x128xi32, #tpu.memory_space<vmem>>, vector<1x16xi32>,
    %get3A_145 = arith.constant 1 : i32
    %get3A_146 = arith.index_cast %get3A_145 : i32 to index
    %get3A_147 = arith.constant 32 : index
    %get3A_148 = tpu.vector_load %arg9[%get3A_146, %get3A_147] {strides = array<i32>} : memref<4x128xi32, #tpu.memory_space<vmem>>, vector<1x16xi32>,
    %get3A_149 = vector.shape_cast %get3A_148 : vector<1x16xi32> to vector<16xi32>
    %add3A_150 = arith.constant 100000 : i32
    %add3A_151 = vector.broadcast %add3A_150 : i32 to vector<16xi32>
    %add3A_152 = arith.addi %get3A_149, %add3A_151 : vector<16xi32>
    %swap3A_153 = arith.constant 1 : i32
    %swap3A_154 = arith.index_cast %swap3A_153 : i32 to index
    %swap3A_155 = arith.constant 32 : index
    %swap3A_156 = tpu.vector_load %arg10[%swap3A_154, %swap3A_155] {strides = array<i32>} : memref<4x128xi32, #tpu.memory_space<vmem>>, vector<1x16xi32>,
    %swap3A_157 = vector.shape_cast %swap3A_156 : vector<1x16xi32> to vector<16xi32>
    %swap3A_158 = vector.shape_cast %add3A_152 : vector<16xi32> to vector<1x16xi32>
    tpu.vector_store %arg10[%swap3A_154, %swap3A_155], %swap3A_158 {strides = array<i32>} : memref<4x128xi32, #tpu.memory_space<vmem>>, vector<1x16xi32>,
    %get3A_159 = arith.constant 1 : i32
    %get3A_160 = arith.index_cast %get3A_159 : i32 to index
    %get3A_161 = arith.constant 48 : index
    %get3A_162 = tpu.vector_load %arg9[%get3A_160, %get3A_161] {strides = array<i32>} : memref<4x128xi32, #tpu.memory_space<vmem>>, vector<1x16xi32>,
    %get3A_163 = vector.shape_cast %get3A_162 : vector<1x16xi32> to vector<16xi32>
    %add3A_164 = arith.constant 100000 : i32
    %add3A_165 = vector.broadcast %add3A_164 : i32 to vector<16xi32>
    %add3A_166 = arith.addi %get3A_163, %add3A_165 : vector<16xi32>
    %swap3A_167 = arith.constant 1 : i32
    %swap3A_168 = arith.index_cast %swap3A_167 : i32 to index
    %swap3A_169 = arith.constant 48 : index
    %swap3A_170 = tpu.vector_load %arg10[%swap3A_168, %swap3A_169] {strides = array<i32>} : memref<4x128xi32, #tpu.memory_space<vmem>>, vector<1x16xi32>,
    %swap3A_171 = vector.shape_cast %swap3A_170 : vector<1x16xi32> to vector<16xi32>
    %swap3A_172 = vector.shape_cast %add3A_166 : vector<16xi32> to vector<1x16xi32>
    tpu.vector_store %arg10[%swap3A_168, %swap3A_169], %swap3A_172 {strides = array<i32>} : memref<4x128xi32, #tpu.memory_space<vmem>>, vector<1x16xi32>,
    %get3A_173 = arith.constant 1 : i32
    %get3A_174 = arith.index_cast %get3A_173 : i32 to index
    %get3A_175 = arith.constant 64 : index
    %get3A_176 = tpu.vector_load %arg9[%get3A_174, %get3A_175] {strides = array<i32>} : memref<4x128xi32, #tpu.memory_space<vmem>>, vector<1x16xi32>,
    %get3A_177 = vector.shape_cast %get3A_176 : vector<1x16xi32> to vector<16xi32>
    %add3A_178 = arith.constant 100000 : i32
    %add3A_179 = vector.broadcast %add3A_178 : i32 to vector<16xi32>
    %add3A_180 = arith.addi %get3A_177, %add3A_179 : vector<16xi32>
    %swap3A_181 = arith.constant 1 : i32
    %swap3A_182 = arith.index_cast %swap3A_181 : i32 to index
    %swap3A_183 = arith.constant 64 : index
    %swap3A_184 = tpu.vector_load %arg10[%swap3A_182, %swap3A_183] {strides = array<i32>} : memref<4x128xi32, #tpu.memory_space<vmem>>, vector<1x16xi32>,
    %swap3A_185 = vector.shape_cast %swap3A_184 : vector<1x16xi32> to vector<16xi32>
    %swap3A_186 = vector.shape_cast %add3A_180 : vector<16xi32> to vector<1x16xi32>
    tpu.vector_store %arg10[%swap3A_182, %swap3A_183], %swap3A_186 {strides = array<i32>} : memref<4x128xi32, #tpu.memory_space<vmem>>, vector<1x16xi32>,
    %get3A_187 = arith.constant 1 : i32
    %get3A_188 = arith.index_cast %get3A_187 : i32 to index
    %get3A_189 = arith.constant 80 : index
    %get3A_190 = tpu.vector_load %arg9[%get3A_188, %get3A_189] {strides = array<i32>} : memref<4x128xi32, #tpu.memory_space<vmem>>, vector<1x16xi32>,
    %get3A_191 = vector.shape_cast %get3A_190 : vector<1x16xi32> to vector<16xi32>
    %add3A_192 = arith.constant 100000 : i32
    %add3A_193 = vector.broadcast %add3A_192 : i32 to vector<16xi32>
    %add3A_194 = arith.addi %get3A_191, %add3A_193 : vector<16xi32>
    %swap3A_195 = arith.constant 1 : i32
    %swap3A_196 = arith.index_cast %swap3A_195 : i32 to index
    %swap3A_197 = arith.constant 80 : index
    %swap3A_198 = tpu.vector_load %arg10[%swap3A_196, %swap3A_197] {strides = array<i32>} : memref<4x128xi32, #tpu.memory_space<vmem>>, vector<1x16xi32>,
    %swap3A_199 = vector.shape_cast %swap3A_198 : vector<1x16xi32> to vector<16xi32>
    %swap3A_200 = vector.shape_cast %add3A_194 : vector<16xi32> to vector<1x16xi32>
    tpu.vector_store %arg10[%swap3A_196, %swap3A_197], %swap3A_200 {strides = array<i32>} : memref<4x128xi32, #tpu.memory_space<vmem>>, vector<1x16xi32>,
    %get3A_201 = arith.constant 1 : i32
    %get3A_202 = arith.index_cast %get3A_201 : i32 to index
    %get3A_203 = arith.constant 96 : index
    %get3A_204 = tpu.vector_load %arg9[%get3A_202, %get3A_203] {strides = array<i32>} : memref<4x128xi32, #tpu.memory_space<vmem>>, vector<1x16xi32>,
    %get3A_205 = vector.shape_cast %get3A_204 : vector<1x16xi32> to vector<16xi32>
    %add3A_206 = arith.constant 100000 : i32
    %add3A_207 = vector.broadcast %add3A_206 : i32 to vector<16xi32>
    %add3A_208 = arith.addi %get3A_205, %add3A_207 : vector<16xi32>
    %swap3A_209 = arith.constant 1 : i32
    %swap3A_210 = arith.index_cast %swap3A_209 : i32 to index
    %swap3A_211 = arith.constant 96 : index
    %swap3A_212 = tpu.vector_load %arg10[%swap3A_210, %swap3A_211] {strides = array<i32>} : memref<4x128xi32, #tpu.memory_space<vmem>>, vector<1x16xi32>,
    %swap3A_213 = vector.shape_cast %swap3A_212 : vector<1x16xi32> to vector<16xi32>
    %swap3A_214 = vector.shape_cast %add3A_208 : vector<16xi32> to vector<1x16xi32>
    tpu.vector_store %arg10[%swap3A_210, %swap3A_211], %swap3A_214 {strides = array<i32>} : memref<4x128xi32, #tpu.memory_space<vmem>>, vector<1x16xi32>,
    %get3A_215 = arith.constant 1 : i32
    %get3A_216 = arith.index_cast %get3A_215 : i32 to index
    %get3A_217 = arith.constant 112 : index
    %get3A_218 = tpu.vector_load %arg9[%get3A_216, %get3A_217] {strides = array<i32>} : memref<4x128xi32, #tpu.memory_space<vmem>>, vector<1x16xi32>,
    %get3A_219 = vector.shape_cast %get3A_218 : vector<1x16xi32> to vector<16xi32>
    %add3A_220 = arith.constant 100000 : i32
    %add3A_221 = vector.broadcast %add3A_220 : i32 to vector<16xi32>
    %add3A_222 = arith.addi %get3A_219, %add3A_221 : vector<16xi32>
    %swap3A_223 = arith.constant 1 : i32
    %swap3A_224 = arith.index_cast %swap3A_223 : i32 to index
    %swap3A_225 = arith.constant 112 : index
    %swap3A_226 = tpu.vector_load %arg10[%swap3A_224, %swap3A_225] {strides = array<i32>} : memref<4x128xi32, #tpu.memory_space<vmem>>, vector<1x16xi32>,
    %swap3A_227 = vector.shape_cast %swap3A_226 : vector<1x16xi32> to vector<16xi32>
    %swap3A_228 = vector.shape_cast %add3A_222 : vector<16xi32> to vector<1x16xi32>
    tpu.vector_store %arg10[%swap3A_224, %swap3A_225], %swap3A_228 {strides = array<i32>} : memref<4x128xi32, #tpu.memory_space<vmem>>, vector<1x16xi32>,
    %get3A_229 = arith.constant 2 : i32
    %get3A_230 = arith.index_cast %get3A_229 : i32 to index
    %get3A_231 = arith.constant 0 : index
    %get3A_232 = tpu.vector_load %arg9[%get3A_230, %get3A_231] {strides = array<i32>} : memref<4x128xi32, #tpu.memory_space<vmem>>, vector<1x16xi32>,
    %get3A_233 = vector.shape_cast %get3A_232 : vector<1x16xi32> to vector<16xi32>
    %add3A_234 = arith.constant 100000 : i32
    %add3A_235 = vector.broadcast %add3A_234 : i32 to vector<16xi32>
    %add3A_236 = arith.addi %get3A_233, %add3A_235 : vector<16xi32>
    %swap3A_237 = arith.constant 2 : i32
    %swap3A_238 = arith.index_cast %swap3A_237 : i32 to index
    %swap3A_239 = arith.constant 0 : index
    %swap3A_240 = tpu.vector_load %arg10[%swap3A_238, %swap3A_239] {strides = array<i32>} : memref<4x128xi32, #tpu.memory_space<vmem>>, vector<1x16xi32>,
    %swap3A_241 = vector.shape_cast %swap3A_240 : vector<1x16xi32> to vector<16xi32>
    %swap3A_242 = vector.shape_cast %add3A_236 : vector<16xi32> to vector<1x16xi32>
    tpu.vector_store %arg10[%swap3A_238, %swap3A_239], %swap3A_242 {strides = array<i32>} : memref<4x128xi32, #tpu.memory_space<vmem>>, vector<1x16xi32>,
    %get3A_243 = arith.constant 2 : i32
    %get3A_244 = arith.index_cast %get3A_243 : i32 to index
    %get3A_245 = arith.constant 16 : index
    %get3A_246 = tpu.vector_load %arg9[%get3A_244, %get3A_245] {strides = array<i32>} : memref<4x128xi32, #tpu.memory_space<vmem>>, vector<1x16xi32>,
    %get3A_247 = vector.shape_cast %get3A_246 : vector<1x16xi32> to vector<16xi32>
    %add3A_248 = arith.constant 100000 : i32
    %add3A_249 = vector.broadcast %add3A_248 : i32 to vector<16xi32>
    %add3A_250 = arith.addi %get3A_247, %add3A_249 : vector<16xi32>
    %swap3A_251 = arith.constant 2 : i32
    %swap3A_252 = arith.index_cast %swap3A_251 : i32 to index
    %swap3A_253 = arith.constant 16 : index
    %swap3A_254 = tpu.vector_load %arg10[%swap3A_252, %swap3A_253] {strides = array<i32>} : memref<4x128xi32, #tpu.memory_space<vmem>>, vector<1x16xi32>,
    %swap3A_255 = vector.shape_cast %swap3A_254 : vector<1x16xi32> to vector<16xi32>
    %swap3A_256 = vector.shape_cast %add3A_250 : vector<16xi32> to vector<1x16xi32>
    tpu.vector_store %arg10[%swap3A_252, %swap3A_253], %swap3A_256 {strides = array<i32>} : memref<4x128xi32, #tpu.memory_space<vmem>>, vector<1x16xi32>,
    %get3A_257 = arith.constant 2 : i32
    %get3A_258 = arith.index_cast %get3A_257 : i32 to index
    %get3A_259 = arith.constant 32 : index
    %get3A_260 = tpu.vector_load %arg9[%get3A_258, %get3A_259] {strides = array<i32>} : memref<4x128xi32, #tpu.memory_space<vmem>>, vector<1x16xi32>,
    %get3A_261 = vector.shape_cast %get3A_260 : vector<1x16xi32> to vector<16xi32>
    %add3A_262 = arith.constant 100000 : i32
    %add3A_263 = vector.broadcast %add3A_262 : i32 to vector<16xi32>
    %add3A_264 = arith.addi %get3A_261, %add3A_263 : vector<16xi32>
    %swap3A_265 = arith.constant 2 : i32
    %swap3A_266 = arith.index_cast %swap3A_265 : i32 to index
    %swap3A_267 = arith.constant 32 : index
    %swap3A_268 = tpu.vector_load %arg10[%swap3A_266, %swap3A_267] {strides = array<i32>} : memref<4x128xi32, #tpu.memory_space<vmem>>, vector<1x16xi32>,
    %swap3A_269 = vector.shape_cast %swap3A_268 : vector<1x16xi32> to vector<16xi32>
    %swap3A_270 = vector.shape_cast %add3A_264 : vector<16xi32> to vector<1x16xi32>
    tpu.vector_store %arg10[%swap3A_266, %swap3A_267], %swap3A_270 {strides = array<i32>} : memref<4x128xi32, #tpu.memory_space<vmem>>, vector<1x16xi32>,
    %get3A_271 = arith.constant 2 : i32
    %get3A_272 = arith.index_cast %get3A_271 : i32 to index
    %get3A_273 = arith.constant 48 : index
    %get3A_274 = tpu.vector_load %arg9[%get3A_272, %get3A_273] {strides = array<i32>} : memref<4x128xi32, #tpu.memory_space<vmem>>, vector<1x16xi32>,
    %get3A_275 = vector.shape_cast %get3A_274 : vector<1x16xi32> to vector<16xi32>
    %add3A_276 = arith.constant 100000 : i32
    %add3A_277 = vector.broadcast %add3A_276 : i32 to vector<16xi32>
    %add3A_278 = arith.addi %get3A_275, %add3A_277 : vector<16xi32>
    %swap3A_279 = arith.constant 2 : i32
    %swap3A_280 = arith.index_cast %swap3A_279 : i32 to index
    %swap3A_281 = arith.constant 48 : index
    %swap3A_282 = tpu.vector_load %arg10[%swap3A_280, %swap3A_281] {strides = array<i32>} : memref<4x128xi32, #tpu.memory_space<vmem>>, vector<1x16xi32>,
    %swap3A_283 = vector.shape_cast %swap3A_282 : vector<1x16xi32> to vector<16xi32>
    %swap3A_284 = vector.shape_cast %add3A_278 : vector<16xi32> to vector<1x16xi32>
    tpu.vector_store %arg10[%swap3A_280, %swap3A_281], %swap3A_284 {strides = array<i32>} : memref<4x128xi32, #tpu.memory_space<vmem>>, vector<1x16xi32>,
    %get3A_285 = arith.constant 2 : i32
    %get3A_286 = arith.index_cast %get3A_285 : i32 to index
    %get3A_287 = arith.constant 64 : index
    %get3A_288 = tpu.vector_load %arg9[%get3A_286, %get3A_287] {strides = array<i32>} : memref<4x128xi32, #tpu.memory_space<vmem>>, vector<1x16xi32>,
    %get3A_289 = vector.shape_cast %get3A_288 : vector<1x16xi32> to vector<16xi32>
    %add3A_290 = arith.constant 100000 : i32
    %add3A_291 = vector.broadcast %add3A_290 : i32 to vector<16xi32>
    %add3A_292 = arith.addi %get3A_289, %add3A_291 : vector<16xi32>
    %swap3A_293 = arith.constant 2 : i32
    %swap3A_294 = arith.index_cast %swap3A_293 : i32 to index
    %swap3A_295 = arith.constant 64 : index
    %swap3A_296 = tpu.vector_load %arg10[%swap3A_294, %swap3A_295] {strides = array<i32>} : memref<4x128xi32, #tpu.memory_space<vmem>>, vector<1x16xi32>,
    %swap3A_297 = vector.shape_cast %swap3A_296 : vector<1x16xi32> to vector<16xi32>
    %swap3A_298 = vector.shape_cast %add3A_292 : vector<16xi32> to vector<1x16xi32>
    tpu.vector_store %arg10[%swap3A_294, %swap3A_295], %swap3A_298 {strides = array<i32>} : memref<4x128xi32, #tpu.memory_space<vmem>>, vector<1x16xi32>,
    %get3A_299 = arith.constant 2 : i32
    %get3A_300 = arith.index_cast %get3A_299 : i32 to index
    %get3A_301 = arith.constant 80 : index
    %get3A_302 = tpu.vector_load %arg9[%get3A_300, %get3A_301] {strides = array<i32>} : memref<4x128xi32, #tpu.memory_space<vmem>>, vector<1x16xi32>,
    %get3A_303 = vector.shape_cast %get3A_302 : vector<1x16xi32> to vector<16xi32>
    %add3A_304 = arith.constant 100000 : i32
    %add3A_305 = vector.broadcast %add3A_304 : i32 to vector<16xi32>
    %add3A_306 = arith.addi %get3A_303, %add3A_305 : vector<16xi32>
    %swap3A_307 = arith.constant 2 : i32
    %swap3A_308 = arith.index_cast %swap3A_307 : i32 to index
    %swap3A_309 = arith.constant 80 : index
    %swap3A_310 = tpu.vector_load %arg10[%swap3A_308, %swap3A_309] {strides = array<i32>} : memref<4x128xi32, #tpu.memory_space<vmem>>, vector<1x16xi32>,
    %swap3A_311 = vector.shape_cast %swap3A_310 : vector<1x16xi32> to vector<16xi32>
    %swap3A_312 = vector.shape_cast %add3A_306 : vector<16xi32> to vector<1x16xi32>
    tpu.vector_store %arg10[%swap3A_308, %swap3A_309], %swap3A_312 {strides = array<i32>} : memref<4x128xi32, #tpu.memory_space<vmem>>, vector<1x16xi32>,
    %get3A_313 = arith.constant 2 : i32
    %get3A_314 = arith.index_cast %get3A_313 : i32 to index
    %get3A_315 = arith.constant 96 : index
    %get3A_316 = tpu.vector_load %arg9[%get3A_314, %get3A_315] {strides = array<i32>} : memref<4x128xi32, #tpu.memory_space<vmem>>, vector<1x16xi32>,
    %get3A_317 = vector.shape_cast %get3A_316 : vector<1x16xi32> to vector<16xi32>
    %add3A_318 = arith.constant 100000 : i32
    %add3A_319 = vector.broadcast %add3A_318 : i32 to vector<16xi32>
    %add3A_320 = arith.addi %get3A_317, %add3A_319 : vector<16xi32>
    %swap3A_321 = arith.constant 2 : i32
    %swap3A_322 = arith.index_cast %swap3A_321 : i32 to index
    %swap3A_323 = arith.constant 96 : index
    %swap3A_324 = tpu.vector_load %arg10[%swap3A_322, %swap3A_323] {strides = array<i32>} : memref<4x128xi32, #tpu.memory_space<vmem>>, vector<1x16xi32>,
    %swap3A_325 = vector.shape_cast %swap3A_324 : vector<1x16xi32> to vector<16xi32>
    %swap3A_326 = vector.shape_cast %add3A_320 : vector<16xi32> to vector<1x16xi32>
    tpu.vector_store %arg10[%swap3A_322, %swap3A_323], %swap3A_326 {strides = array<i32>} : memref<4x128xi32, #tpu.memory_space<vmem>>, vector<1x16xi32>,
    %get3A_327 = arith.constant 2 : i32
    %get3A_328 = arith.index_cast %get3A_327 : i32 to index
    %get3A_329 = arith.constant 112 : index
    %get3A_330 = tpu.vector_load %arg9[%get3A_328, %get3A_329] {strides = array<i32>} : memref<4x128xi32, #tpu.memory_space<vmem>>, vector<1x16xi32>,
    %get3A_331 = vector.shape_cast %get3A_330 : vector<1x16xi32> to vector<16xi32>
    %add3A_332 = arith.constant 100000 : i32
    %add3A_333 = vector.broadcast %add3A_332 : i32 to vector<16xi32>
    %add3A_334 = arith.addi %get3A_331, %add3A_333 : vector<16xi32>
    %swap3A_335 = arith.constant 2 : i32
    %swap3A_336 = arith.index_cast %swap3A_335 : i32 to index
    %swap3A_337 = arith.constant 112 : index
    %swap3A_338 = tpu.vector_load %arg10[%swap3A_336, %swap3A_337] {strides = array<i32>} : memref<4x128xi32, #tpu.memory_space<vmem>>, vector<1x16xi32>,
    %swap3A_339 = vector.shape_cast %swap3A_338 : vector<1x16xi32> to vector<16xi32>
    %swap3A_340 = vector.shape_cast %add3A_334 : vector<16xi32> to vector<1x16xi32>
    tpu.vector_store %arg10[%swap3A_336, %swap3A_337], %swap3A_340 {strides = array<i32>} : memref<4x128xi32, #tpu.memory_space<vmem>>, vector<1x16xi32>,
    %get3A_341 = arith.constant 3 : i32
    %get3A_342 = arith.index_cast %get3A_341 : i32 to index
    %get3A_343 = arith.constant 0 : index
    %get3A_344 = tpu.vector_load %arg9[%get3A_342, %get3A_343] {strides = array<i32>} : memref<4x128xi32, #tpu.memory_space<vmem>>, vector<1x16xi32>,
    %get3A_345 = vector.shape_cast %get3A_344 : vector<1x16xi32> to vector<16xi32>
    %add3A_346 = arith.constant 100000 : i32
    %add3A_347 = vector.broadcast %add3A_346 : i32 to vector<16xi32>
    %add3A_348 = arith.addi %get3A_345, %add3A_347 : vector<16xi32>
    %swap3A_349 = arith.constant 3 : i32
    %swap3A_350 = arith.index_cast %swap3A_349 : i32 to index
    %swap3A_351 = arith.constant 0 : index
    %swap3A_352 = tpu.vector_load %arg10[%swap3A_350, %swap3A_351] {strides = array<i32>} : memref<4x128xi32, #tpu.memory_space<vmem>>, vector<1x16xi32>,
    %swap3A_353 = vector.shape_cast %swap3A_352 : vector<1x16xi32> to vector<16xi32>
    %swap3A_354 = vector.shape_cast %add3A_348 : vector<16xi32> to vector<1x16xi32>
    tpu.vector_store %arg10[%swap3A_350, %swap3A_351], %swap3A_354 {strides = array<i32>} : memref<4x128xi32, #tpu.memory_space<vmem>>, vector<1x16xi32>,
    %get3A_355 = arith.constant 3 : i32
    %get3A_356 = arith.index_cast %get3A_355 : i32 to index
    %get3A_357 = arith.constant 16 : index
    %get3A_358 = tpu.vector_load %arg9[%get3A_356, %get3A_357] {strides = array<i32>} : memref<4x128xi32, #tpu.memory_space<vmem>>, vector<1x16xi32>,
    %get3A_359 = vector.shape_cast %get3A_358 : vector<1x16xi32> to vector<16xi32>
    %add3A_360 = arith.constant 100000 : i32
    %add3A_361 = vector.broadcast %add3A_360 : i32 to vector<16xi32>
    %add3A_362 = arith.addi %get3A_359, %add3A_361 : vector<16xi32>
    %swap3A_363 = arith.constant 3 : i32
    %swap3A_364 = arith.index_cast %swap3A_363 : i32 to index
    %swap3A_365 = arith.constant 16 : index
    %swap3A_366 = tpu.vector_load %arg10[%swap3A_364, %swap3A_365] {strides = array<i32>} : memref<4x128xi32, #tpu.memory_space<vmem>>, vector<1x16xi32>,
    %swap3A_367 = vector.shape_cast %swap3A_366 : vector<1x16xi32> to vector<16xi32>
    %swap3A_368 = vector.shape_cast %add3A_362 : vector<16xi32> to vector<1x16xi32>
    tpu.vector_store %arg10[%swap3A_364, %swap3A_365], %swap3A_368 {strides = array<i32>} : memref<4x128xi32, #tpu.memory_space<vmem>>, vector<1x16xi32>,
    %get3A_369 = arith.constant 3 : i32
    %get3A_370 = arith.index_cast %get3A_369 : i32 to index
    %get3A_371 = arith.constant 32 : index
    %get3A_372 = tpu.vector_load %arg9[%get3A_370, %get3A_371] {strides = array<i32>} : memref<4x128xi32, #tpu.memory_space<vmem>>, vector<1x16xi32>,
    %get3A_373 = vector.shape_cast %get3A_372 : vector<1x16xi32> to vector<16xi32>
    %add3A_374 = arith.constant 100000 : i32
    %add3A_375 = vector.broadcast %add3A_374 : i32 to vector<16xi32>
    %add3A_376 = arith.addi %get3A_373, %add3A_375 : vector<16xi32>
    %swap3A_377 = arith.constant 3 : i32
    %swap3A_378 = arith.index_cast %swap3A_377 : i32 to index
    %swap3A_379 = arith.constant 32 : index
    %swap3A_380 = tpu.vector_load %arg10[%swap3A_378, %swap3A_379] {strides = array<i32>} : memref<4x128xi32, #tpu.memory_space<vmem>>, vector<1x16xi32>,
    %swap3A_381 = vector.shape_cast %swap3A_380 : vector<1x16xi32> to vector<16xi32>
    %swap3A_382 = vector.shape_cast %add3A_376 : vector<16xi32> to vector<1x16xi32>
    tpu.vector_store %arg10[%swap3A_378, %swap3A_379], %swap3A_382 {strides = array<i32>} : memref<4x128xi32, #tpu.memory_space<vmem>>, vector<1x16xi32>,
    %get3A_383 = arith.constant 3 : i32
    %get3A_384 = arith.index_cast %get3A_383 : i32 to index
    %get3A_385 = arith.constant 48 : index
    %get3A_386 = tpu.vector_load %arg9[%get3A_384, %get3A_385] {strides = array<i32>} : memref<4x128xi32, #tpu.memory_space<vmem>>, vector<1x16xi32>,
    %get3A_387 = vector.shape_cast %get3A_386 : vector<1x16xi32> to vector<16xi32>
    %add3A_388 = arith.constant 100000 : i32
    %add3A_389 = vector.broadcast %add3A_388 : i32 to vector<16xi32>
    %add3A_390 = arith.addi %get3A_387, %add3A_389 : vector<16xi32>
    %swap3A_391 = arith.constant 3 : i32
    %swap3A_392 = arith.index_cast %swap3A_391 : i32 to index
    %swap3A_393 = arith.constant 48 : index
    %swap3A_394 = tpu.vector_load %arg10[%swap3A_392, %swap3A_393] {strides = array<i32>} : memref<4x128xi32, #tpu.memory_space<vmem>>, vector<1x16xi32>,
    %swap3A_395 = vector.shape_cast %swap3A_394 : vector<1x16xi32> to vector<16xi32>
    %swap3A_396 = vector.shape_cast %add3A_390 : vector<16xi32> to vector<1x16xi32>
    tpu.vector_store %arg10[%swap3A_392, %swap3A_393], %swap3A_396 {strides = array<i32>} : memref<4x128xi32, #tpu.memory_space<vmem>>, vector<1x16xi32>,
    %get3A_397 = arith.constant 3 : i32
    %get3A_398 = arith.index_cast %get3A_397 : i32 to index
    %get3A_399 = arith.constant 64 : index
    %get3A_400 = tpu.vector_load %arg9[%get3A_398, %get3A_399] {strides = array<i32>} : memref<4x128xi32, #tpu.memory_space<vmem>>, vector<1x16xi32>,
    %get3A_401 = vector.shape_cast %get3A_400 : vector<1x16xi32> to vector<16xi32>
    %add3A_402 = arith.constant 100000 : i32
    %add3A_403 = vector.broadcast %add3A_402 : i32 to vector<16xi32>
    %add3A_404 = arith.addi %get3A_401, %add3A_403 : vector<16xi32>
    %swap3A_405 = arith.constant 3 : i32
    %swap3A_406 = arith.index_cast %swap3A_405 : i32 to index
    %swap3A_407 = arith.constant 64 : index
    %swap3A_408 = tpu.vector_load %arg10[%swap3A_406, %swap3A_407] {strides = array<i32>} : memref<4x128xi32, #tpu.memory_space<vmem>>, vector<1x16xi32>,
    %swap3A_409 = vector.shape_cast %swap3A_408 : vector<1x16xi32> to vector<16xi32>
    %swap3A_410 = vector.shape_cast %add3A_404 : vector<16xi32> to vector<1x16xi32>
    tpu.vector_store %arg10[%swap3A_406, %swap3A_407], %swap3A_410 {strides = array<i32>} : memref<4x128xi32, #tpu.memory_space<vmem>>, vector<1x16xi32>,
    %get3A_411 = arith.constant 3 : i32
    %get3A_412 = arith.index_cast %get3A_411 : i32 to index
    %get3A_413 = arith.constant 80 : index
    %get3A_414 = tpu.vector_load %arg9[%get3A_412, %get3A_413] {strides = array<i32>} : memref<4x128xi32, #tpu.memory_space<vmem>>, vector<1x16xi32>,
    %get3A_415 = vector.shape_cast %get3A_414 : vector<1x16xi32> to vector<16xi32>
    %add3A_416 = arith.constant 100000 : i32
    %add3A_417 = vector.broadcast %add3A_416 : i32 to vector<16xi32>
    %add3A_418 = arith.addi %get3A_415, %add3A_417 : vector<16xi32>
    %swap3A_419 = arith.constant 3 : i32
    %swap3A_420 = arith.index_cast %swap3A_419 : i32 to index
    %swap3A_421 = arith.constant 80 : index
    %swap3A_422 = tpu.vector_load %arg10[%swap3A_420, %swap3A_421] {strides = array<i32>} : memref<4x128xi32, #tpu.memory_space<vmem>>, vector<1x16xi32>,
    %swap3A_423 = vector.shape_cast %swap3A_422 : vector<1x16xi32> to vector<16xi32>
    %swap3A_424 = vector.shape_cast %add3A_418 : vector<16xi32> to vector<1x16xi32>
    tpu.vector_store %arg10[%swap3A_420, %swap3A_421], %swap3A_424 {strides = array<i32>} : memref<4x128xi32, #tpu.memory_space<vmem>>, vector<1x16xi32>,
    %get3A_425 = arith.constant 3 : i32
    %get3A_426 = arith.index_cast %get3A_425 : i32 to index
    %get3A_427 = arith.constant 96 : index
    %get3A_428 = tpu.vector_load %arg9[%get3A_426, %get3A_427] {strides = array<i32>} : memref<4x128xi32, #tpu.memory_space<vmem>>, vector<1x16xi32>,
    %get3A_429 = vector.shape_cast %get3A_428 : vector<1x16xi32> to vector<16xi32>
    %add3A_430 = arith.constant 100000 : i32
    %add3A_431 = vector.broadcast %add3A_430 : i32 to vector<16xi32>
    %add3A_432 = arith.addi %get3A_429, %add3A_431 : vector<16xi32>
    %swap3A_433 = arith.constant 3 : i32
    %swap3A_434 = arith.index_cast %swap3A_433 : i32 to index
    %swap3A_435 = arith.constant 96 : index
    %swap3A_436 = tpu.vector_load %arg10[%swap3A_434, %swap3A_435] {strides = array<i32>} : memref<4x128xi32, #tpu.memory_space<vmem>>, vector<1x16xi32>,
    %swap3A_437 = vector.shape_cast %swap3A_436 : vector<1x16xi32> to vector<16xi32>
    %swap3A_438 = vector.shape_cast %add3A_432 : vector<16xi32> to vector<1x16xi32>
    tpu.vector_store %arg10[%swap3A_434, %swap3A_435], %swap3A_438 {strides = array<i32>} : memref<4x128xi32, #tpu.memory_space<vmem>>, vector<1x16xi32>,
    %get3A_439 = arith.constant 3 : i32
    %get3A_440 = arith.index_cast %get3A_439 : i32 to index
    %get3A_441 = arith.constant 112 : index
    %get3A_442 = tpu.vector_load %arg9[%get3A_440, %get3A_441] {strides = array<i32>} : memref<4x128xi32, #tpu.memory_space<vmem>>, vector<1x16xi32>,
    %get3A_443 = vector.shape_cast %get3A_442 : vector<1x16xi32> to vector<16xi32>
    %add3A_444 = arith.constant 100000 : i32
    %add3A_445 = vector.broadcast %add3A_444 : i32 to vector<16xi32>
    %add3A_446 = arith.addi %get3A_443, %add3A_445 : vector<16xi32>
    %swap3A_447 = arith.constant 3 : i32
    %swap3A_448 = arith.index_cast %swap3A_447 : i32 to index
    %swap3A_449 = arith.constant 112 : index
    %swap3A_450 = tpu.vector_load %arg10[%swap3A_448, %swap3A_449] {strides = array<i32>} : memref<4x128xi32, #tpu.memory_space<vmem>>, vector<1x16xi32>,
    %swap3A_451 = vector.shape_cast %swap3A_450 : vector<1x16xi32> to vector<16xi32>
    %swap3A_452 = vector.shape_cast %add3A_446 : vector<16xi32> to vector<1x16xi32>
    tpu.vector_store %arg10[%swap3A_448, %swap3A_449], %swap3A_452 {strides = array<i32>} : memref<4x128xi32, #tpu.memory_space<vmem>>, vector<1x16xi32>,
    %dma_start3A = arith.constant 0 : i32
    %dma_start3A_453 = arith.constant 0 : i32
    %dma_start3A_454 = tpu.memref_slice %arg15[%dma_start3A_453] : memref<512xf32, #tpu.memory_space<vmem>> -> memref<128xf32, #tpu.memory_space<vmem>>
    %dma_start3A_455 = arith.constant 0 : i32
    %dma_start3A_456 = tpu.memref_slice %arg8[%dma_start3A, %dma_start3A_455] : memref<4x128xi32, #tpu.memory_space<vmem>> -> memref<1x128xi32, #tpu.memory_space<vmem>>
    %dma_start3A_457 = tpu.memref_squeeze %dma_start3A_456 : memref<1x128xi32, #tpu.memory_space<vmem>> -> memref<128xi32, #tpu.memory_space<vmem>>
    %dma_start3A_458 = arith.constant 0 : i32
    %dma_start3A_459 = tpu.memref_slice %arg5[%dma_start3A_458] : memref<200000xf32, #tpu.memory_space<hbm>> -> memref<200000xf32, #tpu.memory_space<hbm>>
    tpu.enqueue_indirect_dma source(%dma_start3A_459 : memref<200000xf32, #tpu.memory_space<hbm>>) target(%dma_start3A_454 : memref<128xf32, #tpu.memory_space<vmem>>) offsets(%dma_start3A_457 : memref<128xi32, #tpu.memory_space<vmem>>) semaphore(%arg21 : memref<!tpu.dma_semaphore, #tpu.memory_space<semaphore_mem>>)
    %dma_start3A_460 = arith.constant 0 : i32
    %dma_start3A_461 = arith.constant 0 : i32
    %dma_start3A_462 = tpu.memref_slice %arg16[%dma_start3A_461] : memref<512xf32, #tpu.memory_space<vmem>> -> memref<128xf32, #tpu.memory_space<vmem>>
    %dma_start3A_463 = arith.constant 0 : i32
    %dma_start3A_464 = tpu.memref_slice %arg10[%dma_start3A_460, %dma_start3A_463] : memref<4x128xi32, #tpu.memory_space<vmem>> -> memref<1x128xi32, #tpu.memory_space<vmem>>
    %dma_start3A_465 = tpu.memref_squeeze %dma_start3A_464 : memref<1x128xi32, #tpu.memory_space<vmem>> -> memref<128xi32, #tpu.memory_space<vmem>>
    %dma_start3A_466 = arith.constant 0 : i32
    %dma_start3A_467 = tpu.memref_slice %arg5[%dma_start3A_466] : memref<200000xf32, #tpu.memory_space<hbm>> -> memref<200000xf32, #tpu.memory_space<hbm>>
    tpu.enqueue_indirect_dma source(%dma_start3A_467 : memref<200000xf32, #tpu.memory_space<hbm>>) target(%dma_start3A_462 : memref<128xf32, #tpu.memory_space<vmem>>) offsets(%dma_start3A_465 : memref<128xi32, #tpu.memory_space<vmem>>) semaphore(%arg21 : memref<!tpu.dma_semaphore, #tpu.memory_space<semaphore_mem>>)
    %dma_start3A_468 = arith.constant 1 : i32
    %dma_start3A_469 = arith.constant 128 : i32
    %dma_start3A_470 = tpu.memref_slice %arg15[%dma_start3A_469] : memref<512xf32, #tpu.memory_space<vmem>> -> memref<128xf32, #tpu.memory_space<vmem>>
    %dma_start3A_471 = arith.constant 0 : i32
    %dma_start3A_472 = tpu.memref_slice %arg8[%dma_start3A_468, %dma_start3A_471] : memref<4x128xi32, #tpu.memory_space<vmem>> -> memref<1x128xi32, #tpu.memory_space<vmem>>
    %dma_start3A_473 = tpu.memref_squeeze %dma_start3A_472 : memref<1x128xi32, #tpu.memory_space<vmem>> -> memref<128xi32, #tpu.memory_space<vmem>>
    %dma_start3A_474 = arith.constant 0 : i32
    %dma_start3A_475 = tpu.memref_slice %arg5[%dma_start3A_474] : memref<200000xf32, #tpu.memory_space<hbm>> -> memref<200000xf32, #tpu.memory_space<hbm>>
    tpu.enqueue_indirect_dma source(%dma_start3A_475 : memref<200000xf32, #tpu.memory_space<hbm>>) target(%dma_start3A_470 : memref<128xf32, #tpu.memory_space<vmem>>) offsets(%dma_start3A_473 : memref<128xi32, #tpu.memory_space<vmem>>) semaphore(%arg21 : memref<!tpu.dma_semaphore, #tpu.memory_space<semaphore_mem>>)
    %dma_start3A_476 = arith.constant 1 : i32
    %dma_start3A_477 = arith.constant 128 : i32
    %dma_start3A_478 = tpu.memref_slice %arg16[%dma_start3A_477] : memref<512xf32, #tpu.memory_space<vmem>> -> memref<128xf32, #tpu.memory_space<vmem>>
    %dma_start3A_479 = arith.constant 0 : i32
    %dma_start3A_480 = tpu.memref_slice %arg10[%dma_start3A_476, %dma_start3A_479] : memref<4x128xi32, #tpu.memory_space<vmem>> -> memref<1x128xi32, #tpu.memory_space<vmem>>
    %dma_start3A_481 = tpu.memref_squeeze %dma_start3A_480 : memref<1x128xi32, #tpu.memory_space<vmem>> -> memref<128xi32, #tpu.memory_space<vmem>>
    %dma_start3A_482 = arith.constant 0 : i32
    %dma_start3A_483 = tpu.memref_slice %arg5[%dma_start3A_482] : memref<200000xf32, #tpu.memory_space<hbm>> -> memref<200000xf32, #tpu.memory_space<hbm>>
    tpu.enqueue_indirect_dma source(%dma_start3A_483 : memref<200000xf32, #tpu.memory_space<hbm>>) target(%dma_start3A_478 : memref<128xf32, #tpu.memory_space<vmem>>) offsets(%dma_start3A_481 : memref<128xi32, #tpu.memory_space<vmem>>) semaphore(%arg21 : memref<!tpu.dma_semaphore, #tpu.memory_space<semaphore_mem>>)
    %dma_start3A_484 = arith.constant 2 : i32
    %dma_start3A_485 = arith.constant 256 : i32
    %dma_start3A_486 = tpu.memref_slice %arg15[%dma_start3A_485] : memref<512xf32, #tpu.memory_space<vmem>> -> memref<128xf32, #tpu.memory_space<vmem>>
    %dma_start3A_487 = arith.constant 0 : i32
    %dma_start3A_488 = tpu.memref_slice %arg8[%dma_start3A_484, %dma_start3A_487] : memref<4x128xi32, #tpu.memory_space<vmem>> -> memref<1x128xi32, #tpu.memory_space<vmem>>
    %dma_start3A_489 = tpu.memref_squeeze %dma_start3A_488 : memref<1x128xi32, #tpu.memory_space<vmem>> -> memref<128xi32, #tpu.memory_space<vmem>>
    %dma_start3A_490 = arith.constant 0 : i32
    %dma_start3A_491 = tpu.memref_slice %arg5[%dma_start3A_490] : memref<200000xf32, #tpu.memory_space<hbm>> -> memref<200000xf32, #tpu.memory_space<hbm>>
    tpu.enqueue_indirect_dma source(%dma_start3A_491 : memref<200000xf32, #tpu.memory_space<hbm>>) target(%dma_start3A_486 : memref<128xf32, #tpu.memory_space<vmem>>) offsets(%dma_start3A_489 : memref<128xi32, #tpu.memory_space<vmem>>) semaphore(%arg21 : memref<!tpu.dma_semaphore, #tpu.memory_space<semaphore_mem>>)
    %dma_start3A_492 = arith.constant 2 : i32
    %dma_start3A_493 = arith.constant 256 : i32
    %dma_start3A_494 = tpu.memref_slice %arg16[%dma_start3A_493] : memref<512xf32, #tpu.memory_space<vmem>> -> memref<128xf32, #tpu.memory_space<vmem>>
    %dma_start3A_495 = arith.constant 0 : i32
    %dma_start3A_496 = tpu.memref_slice %arg10[%dma_start3A_492, %dma_start3A_495] : memref<4x128xi32, #tpu.memory_space<vmem>> -> memref<1x128xi32, #tpu.memory_space<vmem>>
    %dma_start3A_497 = tpu.memref_squeeze %dma_start3A_496 : memref<1x128xi32, #tpu.memory_space<vmem>> -> memref<128xi32, #tpu.memory_space<vmem>>
    %dma_start3A_498 = arith.constant 0 : i32
    %dma_start3A_499 = tpu.memref_slice %arg5[%dma_start3A_498] : memref<200000xf32, #tpu.memory_space<hbm>> -> memref<200000xf32, #tpu.memory_space<hbm>>
    tpu.enqueue_indirect_dma source(%dma_start3A_499 : memref<200000xf32, #tpu.memory_space<hbm>>) target(%dma_start3A_494 : memref<128xf32, #tpu.memory_space<vmem>>) offsets(%dma_start3A_497 : memref<128xi32, #tpu.memory_space<vmem>>) semaphore(%arg21 : memref<!tpu.dma_semaphore, #tpu.memory_space<semaphore_mem>>)
    %dma_start3A_500 = arith.constant 3 : i32
    %dma_start3A_501 = arith.constant 384 : i32
    %dma_start3A_502 = tpu.memref_slice %arg15[%dma_start3A_501] : memref<512xf32, #tpu.memory_space<vmem>> -> memref<128xf32, #tpu.memory_space<vmem>>
    %dma_start3A_503 = arith.constant 0 : i32
    %dma_start3A_504 = tpu.memref_slice %arg8[%dma_start3A_500, %dma_start3A_503] : memref<4x128xi32, #tpu.memory_space<vmem>> -> memref<1x128xi32, #tpu.memory_space<vmem>>
    %dma_start3A_505 = tpu.memref_squeeze %dma_start3A_504 : memref<1x128xi32, #tpu.memory_space<vmem>> -> memref<128xi32, #tpu.memory_space<vmem>>
    %dma_start3A_506 = arith.constant 0 : i32
    %dma_start3A_507 = tpu.memref_slice %arg5[%dma_start3A_506] : memref<200000xf32, #tpu.memory_space<hbm>> -> memref<200000xf32, #tpu.memory_space<hbm>>
    tpu.enqueue_indirect_dma source(%dma_start3A_507 : memref<200000xf32, #tpu.memory_space<hbm>>) target(%dma_start3A_502 : memref<128xf32, #tpu.memory_space<vmem>>) offsets(%dma_start3A_505 : memref<128xi32, #tpu.memory_space<vmem>>) semaphore(%arg21 : memref<!tpu.dma_semaphore, #tpu.memory_space<semaphore_mem>>)
    %dma_start3A_508 = arith.constant 3 : i32
    %dma_start3A_509 = arith.constant 384 : i32
    %dma_start3A_510 = tpu.memref_slice %arg16[%dma_start3A_509] : memref<512xf32, #tpu.memory_space<vmem>> -> memref<128xf32, #tpu.memory_space<vmem>>
    %dma_start3A_511 = arith.constant 0 : i32
    %dma_start3A_512 = tpu.memref_slice %arg10[%dma_start3A_508, %dma_start3A_511] : memref<4x128xi32, #tpu.memory_space<vmem>> -> memref<1x128xi32, #tpu.memory_space<vmem>>
    %dma_start3A_513 = tpu.memref_squeeze %dma_start3A_512 : memref<1x128xi32, #tpu.memory_space<vmem>> -> memref<128xi32, #tpu.memory_space<vmem>>
    %dma_start3A_514 = arith.constant 0 : i32
    %dma_start3A_515 = tpu.memref_slice %arg5[%dma_start3A_514] : memref<200000xf32, #tpu.memory_space<hbm>> -> memref<200000xf32, #tpu.memory_space<hbm>>
    tpu.enqueue_indirect_dma source(%dma_start3A_515 : memref<200000xf32, #tpu.memory_space<hbm>>) target(%dma_start3A_510 : memref<128xf32, #tpu.memory_space<vmem>>) offsets(%dma_start3A_513 : memref<128xi32, #tpu.memory_space<vmem>>) semaphore(%arg21 : memref<!tpu.dma_semaphore, #tpu.memory_space<semaphore_mem>>)
    %broadcast_in_dim3A = arith.constant 0.000000e+00 : f32
    %broadcast_in_dim3A_516 = vector.broadcast %broadcast_in_dim3A : f32 to vector<16xf32>
    %dma_start3A_517 = arith.constant 0 : i32
    %dma_start3A_518 = arith.constant 0 : i32
    %dma_start3A_519 = tpu.memref_slice %arg8[%dma_start3A_517, %dma_start3A_518] : memref<4x128xi32, #tpu.memory_space<vmem>> -> memref<1x128xi32, #tpu.memory_space<vmem>>
    %dma_start3A_520 = tpu.memref_squeeze %dma_start3A_519 : memref<1x128xi32, #tpu.memory_space<vmem>> -> memref<128xi32, #tpu.memory_space<vmem>>
    %dma_start3A_521 = arith.constant 0 : i32
    %dma_start3A_522 = arith.constant 0 : i32
    %dma_start3A_523 = tpu.memref_slice %arg4[%dma_start3A_521, %dma_start3A_522] : memref<100000x128xf32, #tpu.memory_space<hbm>> -> memref<100000x128xf32, #tpu.memory_space<hbm>>
    tpu.enqueue_indirect_dma source(%dma_start3A_523 : memref<100000x128xf32, #tpu.memory_space<hbm>>) target(%arg11 : memref<128x128xf32, #tpu.memory_space<vmem>>) offsets(%dma_start3A_520 : memref<128xi32, #tpu.memory_space<vmem>>) semaphore(%arg19 : memref<!tpu.dma_semaphore, #tpu.memory_space<semaphore_mem>>)
    %dma_start3A_524 = arith.constant 0 : i32
    %dma_start3A_525 = arith.constant 0 : i32
    %dma_start3A_526 = tpu.memref_slice %arg9[%dma_start3A_524, %dma_start3A_525] : memref<4x128xi32, #tpu.memory_space<vmem>> -> memref<1x128xi32, #tpu.memory_space<vmem>>
    %dma_start3A_527 = tpu.memref_squeeze %dma_start3A_526 : memref<1x128xi32, #tpu.memory_space<vmem>> -> memref<128xi32, #tpu.memory_space<vmem>>
    %dma_start3A_528 = arith.constant 0 : i32
    %dma_start3A_529 = arith.constant 0 : i32
    %dma_start3A_530 = tpu.memref_slice %arg4[%dma_start3A_528, %dma_start3A_529] : memref<100000x128xf32, #tpu.memory_space<hbm>> -> memref<100000x128xf32, #tpu.memory_space<hbm>>
    tpu.enqueue_indirect_dma source(%dma_start3A_530 : memref<100000x128xf32, #tpu.memory_space<hbm>>) target(%arg12 : memref<128x128xf32, #tpu.memory_space<vmem>>) offsets(%dma_start3A_527 : memref<128xi32, #tpu.memory_space<vmem>>) semaphore(%arg19 : memref<!tpu.dma_semaphore, #tpu.memory_space<semaphore_mem>>)
    %dma_start3A_531 = arith.constant 1 : i32
    %dma_start3A_532 = arith.constant 0 : i32
    %dma_start3A_533 = tpu.memref_slice %arg8[%dma_start3A_531, %dma_start3A_532] : memref<4x128xi32, #tpu.memory_space<vmem>> -> memref<1x128xi32, #tpu.memory_space<vmem>>
    %dma_start3A_534 = tpu.memref_squeeze %dma_start3A_533 : memref<1x128xi32, #tpu.memory_space<vmem>> -> memref<128xi32, #tpu.memory_space<vmem>>
    %dma_start3A_535 = arith.constant 0 : i32
    %dma_start3A_536 = arith.constant 0 : i32
    %dma_start3A_537 = tpu.memref_slice %arg4[%dma_start3A_535, %dma_start3A_536] : memref<100000x128xf32, #tpu.memory_space<hbm>> -> memref<100000x128xf32, #tpu.memory_space<hbm>>
    tpu.enqueue_indirect_dma source(%dma_start3A_537 : memref<100000x128xf32, #tpu.memory_space<hbm>>) target(%arg13 : memref<128x128xf32, #tpu.memory_space<vmem>>) offsets(%dma_start3A_534 : memref<128xi32, #tpu.memory_space<vmem>>) semaphore(%arg20 : memref<!tpu.dma_semaphore, #tpu.memory_space<semaphore_mem>>)
    %dma_start3A_538 = arith.constant 1 : i32
    %dma_start3A_539 = arith.constant 0 : i32
    %dma_start3A_540 = tpu.memref_slice %arg9[%dma_start3A_538, %dma_start3A_539] : memref<4x128xi32, #tpu.memory_space<vmem>> -> memref<1x128xi32, #tpu.memory_space<vmem>>
    %dma_start3A_541 = tpu.memref_squeeze %dma_start3A_540 : memref<1x128xi32, #tpu.memory_space<vmem>> -> memref<128xi32, #tpu.memory_space<vmem>>
    %dma_start3A_542 = arith.constant 0 : i32
    %dma_start3A_543 = arith.constant 0 : i32
    %dma_start3A_544 = tpu.memref_slice %arg4[%dma_start3A_542, %dma_start3A_543] : memref<100000x128xf32, #tpu.memory_space<hbm>> -> memref<100000x128xf32, #tpu.memory_space<hbm>>
    tpu.enqueue_indirect_dma source(%dma_start3A_544 : memref<100000x128xf32, #tpu.memory_space<hbm>>) target(%arg14 : memref<128x128xf32, #tpu.memory_space<vmem>>) offsets(%dma_start3A_541 : memref<128xi32, #tpu.memory_space<vmem>>) semaphore(%arg20 : memref<!tpu.dma_semaphore, #tpu.memory_space<semaphore_mem>>)
    %dma_wait3A = arith.constant 0 : i32
    %dma_wait3A_545 = arith.constant 0 : i32
    %dma_wait3A_546 = tpu.memref_slice %arg8[%dma_wait3A, %dma_wait3A_545] : memref<4x128xi32, #tpu.memory_space<vmem>> -> memref<1x128xi32, #tpu.memory_space<vmem>>
    %dma_wait3A_547 = tpu.memref_squeeze %dma_wait3A_546 : memref<1x128xi32, #tpu.memory_space<vmem>> -> memref<128xi32, #tpu.memory_space<vmem>>
    %dma_wait3A_548 = arith.constant 0 : i32
    %dma_wait3A_549 = arith.constant 0 : i32
    %dma_wait3A_550 = tpu.memref_slice %arg4[%dma_wait3A_548, %dma_wait3A_549] : memref<100000x128xf32, #tpu.memory_space<hbm>> -> memref<100000x128xf32, #tpu.memory_space<hbm>>
    tpu.wait_indirect_dma semaphore(%arg19 : memref<!tpu.dma_semaphore, #tpu.memory_space<semaphore_mem>>) src(%dma_wait3A_550 : memref<100000x128xf32, #tpu.memory_space<hbm>>) dst(%arg11 : memref<128x128xf32, #tpu.memory_space<vmem>>)
    %dma_wait3A_551 = arith.constant 0 : i32
    %dma_wait3A_552 = arith.constant 0 : i32
    %dma_wait3A_553 = tpu.memref_slice %arg9[%dma_wait3A_551, %dma_wait3A_552] : memref<4x128xi32, #tpu.memory_space<vmem>> -> memref<1x128xi32, #tpu.memory_space<vmem>>
    %dma_wait3A_554 = tpu.memref_squeeze %dma_wait3A_553 : memref<1x128xi32, #tpu.memory_space<vmem>> -> memref<128xi32, #tpu.memory_space<vmem>>
    %dma_wait3A_555 = arith.constant 0 : i32
    %dma_wait3A_556 = arith.constant 0 : i32
    %dma_wait3A_557 = tpu.memref_slice %arg4[%dma_wait3A_555, %dma_wait3A_556] : memref<100000x128xf32, #tpu.memory_space<hbm>> -> memref<100000x128xf32, #tpu.memory_space<hbm>>
    tpu.wait_indirect_dma semaphore(%arg19 : memref<!tpu.dma_semaphore, #tpu.memory_space<semaphore_mem>>) src(%dma_wait3A_557 : memref<100000x128xf32, #tpu.memory_space<hbm>>) dst(%arg12 : memref<128x128xf32, #tpu.memory_space<vmem>>)
    %scan3A = arith.constant 0 : i32
    %scan3A_558 = arith.constant 128 : i32
    %scan3A_559 = arith.addi %scan3A, %scan3A_558 : i32
    %scan3A_560 = arith.constant 1 : i32
    %scan3A_561:4 = scf.for %scan3A_1074 = %scan3A to %scan3A_559 step %scan3A_560 iter_args(%scan3A_1075 = %broadcast_in_dim3A_516, %scan3A_1076 = %broadcast_in_dim3A_516, %scan3A_1077 = %broadcast_in_dim3A_516, %scan3A_1078 = %broadcast_in_dim3A_516) -> (vector<16xf32>, vector<16xf32>, vector<16xf32>, vector<16xf32>)  : i32 {
      %get3A_1079 = arith.index_cast %scan3A_1074 : i32 to index
      %get3A_1080 = arith.constant 0 : index
      %get3A_1081 = tpu.vector_load %arg11[%get3A_1079, %get3A_1080] {strides = array<i32>} : memref<128x128xf32, #tpu.memory_space<vmem>>, vector<1x16xf32>,
      %get3A_1082 = vector.shape_cast %get3A_1081 : vector<1x16xf32> to vector<16xf32>
      %get3A_1083 = arith.index_cast %scan3A_1074 : i32 to index
      %get3A_1084 = arith.constant 64 : index
      %get3A_1085 = tpu.vector_load %arg12[%get3A_1083, %get3A_1084] {strides = array<i32>} : memref<128x128xf32, #tpu.memory_space<vmem>>, vector<1x16xf32>,
      %get3A_1086 = vector.shape_cast %get3A_1085 : vector<1x16xf32> to vector<16xf32>
      %mul3A_1087 = arith.mulf %get3A_1082, %get3A_1086 : vector<16xf32>
      %add3A_1088 = arith.addf %scan3A_1075, %mul3A_1087 : vector<16xf32>
      %get3A_1089 = arith.index_cast %scan3A_1074 : i32 to index
      %get3A_1090 = arith.constant 16 : index
      %get3A_1091 = tpu.vector_load %arg11[%get3A_1089, %get3A_1090] {strides = array<i32>} : memref<128x128xf32, #tpu.memory_space<vmem>>, vector<1x16xf32>,
      %get3A_1092 = vector.shape_cast %get3A_1091 : vector<1x16xf32> to vector<16xf32>
      %get3A_1093 = arith.index_cast %scan3A_1074 : i32 to index
      %get3A_1094 = arith.constant 80 : index
      %get3A_1095 = tpu.vector_load %arg12[%get3A_1093, %get3A_1094] {strides = array<i32>} : memref<128x128xf32, #tpu.memory_space<vmem>>, vector<1x16xf32>,
      %get3A_1096 = vector.shape_cast %get3A_1095 : vector<1x16xf32> to vector<16xf32>
      %mul3A_1097 = arith.mulf %get3A_1092, %get3A_1096 : vector<16xf32>
      %add3A_1098 = arith.addf %scan3A_1076, %mul3A_1097 : vector<16xf32>
      %get3A_1099 = arith.index_cast %scan3A_1074 : i32 to index
      %get3A_1100 = arith.constant 32 : index
      %get3A_1101 = tpu.vector_load %arg11[%get3A_1099, %get3A_1100] {strides = array<i32>} : memref<128x128xf32, #tpu.memory_space<vmem>>, vector<1x16xf32>,
      %get3A_1102 = vector.shape_cast %get3A_1101 : vector<1x16xf32> to vector<16xf32>
      %get3A_1103 = arith.index_cast %scan3A_1074 : i32 to index
      %get3A_1104 = arith.constant 96 : index
      %get3A_1105 = tpu.vector_load %arg12[%get3A_1103, %get3A_1104] {strides = array<i32>} : memref<128x128xf32, #tpu.memory_space<vmem>>, vector<1x16xf32>,
      %get3A_1106 = vector.shape_cast %get3A_1105 : vector<1x16xf32> to vector<16xf32>
      %mul3A_1107 = arith.mulf %get3A_1102, %get3A_1106 : vector<16xf32>
      %add3A_1108 = arith.addf %scan3A_1077, %mul3A_1107 : vector<16xf32>
      %get3A_1109 = arith.index_cast %scan3A_1074 : i32 to index
      %get3A_1110 = arith.constant 48 : index
      %get3A_1111 = tpu.vector_load %arg11[%get3A_1109, %get3A_1110] {strides = array<i32>} : memref<128x128xf32, #tpu.memory_space<vmem>>, vector<1x16xf32>,
      %get3A_1112 = vector.shape_cast %get3A_1111 : vector<1x16xf32> to vector<16xf32>
      %get3A_1113 = arith.index_cast %scan3A_1074 : i32 to index
      %get3A_1114 = arith.constant 112 : index
      %get3A_1115 = tpu.vector_load %arg12[%get3A_1113, %get3A_1114] {strides = array<i32>} : memref<128x128xf32, #tpu.memory_space<vmem>>, vector<1x16xf32>,
      %get3A_1116 = vector.shape_cast %get3A_1115 : vector<1x16xf32> to vector<16xf32>
      %mul3A_1117 = arith.mulf %get3A_1112, %get3A_1116 : vector<16xf32>
      %add3A_1118 = arith.addf %scan3A_1078, %mul3A_1117 : vector<16xf32>
      scf.yield %add3A_1088, %add3A_1098, %add3A_1108, %add3A_1118 : vector<16xf32>, vector<16xf32>, vector<16xf32>, vector<16xf32>
    }
    %scan3A_562 = arith.constant 128 : i32
    %dma_start3A_563 = arith.constant 2 : i32
    %dma_start3A_564 = arith.constant 0 : i32
    %dma_start3A_565 = tpu.memref_slice %arg8[%dma_start3A_563, %dma_start3A_564] : memref<4x128xi32, #tpu.memory_space<vmem>> -> memref<1x128xi32, #tpu.memory_space<vmem>>
    %dma_start3A_566 = tpu.memref_squeeze %dma_start3A_565 : memref<1x128xi32, #tpu.memory_space<vmem>> -> memref<128xi32, #tpu.memory_space<vmem>>
    %dma_start3A_567 = arith.constant 0 : i32
    %dma_start3A_568 = arith.constant 0 : i32
    %dma_start3A_569 = tpu.memref_slice %arg4[%dma_start3A_567, %dma_start3A_568] : memref<100000x128xf32, #tpu.memory_space<hbm>> -> memref<100000x128xf32, #tpu.memory_space<hbm>>
    tpu.enqueue_indirect_dma source(%dma_start3A_569 : memref<100000x128xf32, #tpu.memory_space<hbm>>) target(%arg11 : memref<128x128xf32, #tpu.memory_space<vmem>>) offsets(%dma_start3A_566 : memref<128xi32, #tpu.memory_space<vmem>>) semaphore(%arg19 : memref<!tpu.dma_semaphore, #tpu.memory_space<semaphore_mem>>)
    %dma_start3A_570 = arith.constant 2 : i32
    %dma_start3A_571 = arith.constant 0 : i32
    %dma_start3A_572 = tpu.memref_slice %arg9[%dma_start3A_570, %dma_start3A_571] : memref<4x128xi32, #tpu.memory_space<vmem>> -> memref<1x128xi32, #tpu.memory_space<vmem>>
    %dma_start3A_573 = tpu.memref_squeeze %dma_start3A_572 : memref<1x128xi32, #tpu.memory_space<vmem>> -> memref<128xi32, #tpu.memory_space<vmem>>
    %dma_start3A_574 = arith.constant 0 : i32
    %dma_start3A_575 = arith.constant 0 : i32
    %dma_start3A_576 = tpu.memref_slice %arg4[%dma_start3A_574, %dma_start3A_575] : memref<100000x128xf32, #tpu.memory_space<hbm>> -> memref<100000x128xf32, #tpu.memory_space<hbm>>
    tpu.enqueue_indirect_dma source(%dma_start3A_576 : memref<100000x128xf32, #tpu.memory_space<hbm>>) target(%arg12 : memref<128x128xf32, #tpu.memory_space<vmem>>) offsets(%dma_start3A_573 : memref<128xi32, #tpu.memory_space<vmem>>) semaphore(%arg19 : memref<!tpu.dma_semaphore, #tpu.memory_space<semaphore_mem>>)
    %dma_wait3A_577 = arith.constant 1 : i32
    %dma_wait3A_578 = arith.constant 0 : i32
    %dma_wait3A_579 = tpu.memref_slice %arg8[%dma_wait3A_577, %dma_wait3A_578] : memref<4x128xi32, #tpu.memory_space<vmem>> -> memref<1x128xi32, #tpu.memory_space<vmem>>
    %dma_wait3A_580 = tpu.memref_squeeze %dma_wait3A_579 : memref<1x128xi32, #tpu.memory_space<vmem>> -> memref<128xi32, #tpu.memory_space<vmem>>
    %dma_wait3A_581 = arith.constant 0 : i32
    %dma_wait3A_582 = arith.constant 0 : i32
    %dma_wait3A_583 = tpu.memref_slice %arg4[%dma_wait3A_581, %dma_wait3A_582] : memref<100000x128xf32, #tpu.memory_space<hbm>> -> memref<100000x128xf32, #tpu.memory_space<hbm>>
    tpu.wait_indirect_dma semaphore(%arg20 : memref<!tpu.dma_semaphore, #tpu.memory_space<semaphore_mem>>) src(%dma_wait3A_583 : memref<100000x128xf32, #tpu.memory_space<hbm>>) dst(%arg13 : memref<128x128xf32, #tpu.memory_space<vmem>>)
    %dma_wait3A_584 = arith.constant 1 : i32
    %dma_wait3A_585 = arith.constant 0 : i32
    %dma_wait3A_586 = tpu.memref_slice %arg9[%dma_wait3A_584, %dma_wait3A_585] : memref<4x128xi32, #tpu.memory_space<vmem>> -> memref<1x128xi32, #tpu.memory_space<vmem>>
    %dma_wait3A_587 = tpu.memref_squeeze %dma_wait3A_586 : memref<1x128xi32, #tpu.memory_space<vmem>> -> memref<128xi32, #tpu.memory_space<vmem>>
    %dma_wait3A_588 = arith.constant 0 : i32
    %dma_wait3A_589 = arith.constant 0 : i32
    %dma_wait3A_590 = tpu.memref_slice %arg4[%dma_wait3A_588, %dma_wait3A_589] : memref<100000x128xf32, #tpu.memory_space<hbm>> -> memref<100000x128xf32, #tpu.memory_space<hbm>>
    tpu.wait_indirect_dma semaphore(%arg20 : memref<!tpu.dma_semaphore, #tpu.memory_space<semaphore_mem>>) src(%dma_wait3A_590 : memref<100000x128xf32, #tpu.memory_space<hbm>>) dst(%arg14 : memref<128x128xf32, #tpu.memory_space<vmem>>)
    %scan3A_591 = arith.constant 0 : i32
    %scan3A_592 = arith.constant 128 : i32
    %scan3A_593 = arith.addi %scan3A_591, %scan3A_592 : i32
    %scan3A_594 = arith.constant 1 : i32
    %scan3A_595:4 = scf.for %scan3A_1074 = %scan3A_591 to %scan3A_593 step %scan3A_594 iter_args(%scan3A_1075 = %scan3A_561#0, %scan3A_1076 = %scan3A_561#1, %scan3A_1077 = %scan3A_561#2, %scan3A_1078 = %scan3A_561#3) -> (vector<16xf32>, vector<16xf32>, vector<16xf32>, vector<16xf32>)  : i32 {
      %get3A_1079 = arith.index_cast %scan3A_1074 : i32 to index
      %get3A_1080 = arith.constant 0 : index
      %get3A_1081 = tpu.vector_load %arg13[%get3A_1079, %get3A_1080] {strides = array<i32>} : memref<128x128xf32, #tpu.memory_space<vmem>>, vector<1x16xf32>,
      %get3A_1082 = vector.shape_cast %get3A_1081 : vector<1x16xf32> to vector<16xf32>
      %get3A_1083 = arith.index_cast %scan3A_1074 : i32 to index
      %get3A_1084 = arith.constant 64 : index
      %get3A_1085 = tpu.vector_load %arg14[%get3A_1083, %get3A_1084] {strides = array<i32>} : memref<128x128xf32, #tpu.memory_space<vmem>>, vector<1x16xf32>,
      %get3A_1086 = vector.shape_cast %get3A_1085 : vector<1x16xf32> to vector<16xf32>
      %mul3A_1087 = arith.mulf %get3A_1082, %get3A_1086 : vector<16xf32>
      %add3A_1088 = arith.addf %scan3A_1075, %mul3A_1087 : vector<16xf32>
      %get3A_1089 = arith.index_cast %scan3A_1074 : i32 to index
      %get3A_1090 = arith.constant 16 : index
      %get3A_1091 = tpu.vector_load %arg13[%get3A_1089, %get3A_1090] {strides = array<i32>} : memref<128x128xf32, #tpu.memory_space<vmem>>, vector<1x16xf32>,
      %get3A_1092 = vector.shape_cast %get3A_1091 : vector<1x16xf32> to vector<16xf32>
      %get3A_1093 = arith.index_cast %scan3A_1074 : i32 to index
      %get3A_1094 = arith.constant 80 : index
      %get3A_1095 = tpu.vector_load %arg14[%get3A_1093, %get3A_1094] {strides = array<i32>} : memref<128x128xf32, #tpu.memory_space<vmem>>, vector<1x16xf32>,
      %get3A_1096 = vector.shape_cast %get3A_1095 : vector<1x16xf32> to vector<16xf32>
      %mul3A_1097 = arith.mulf %get3A_1092, %get3A_1096 : vector<16xf32>
      %add3A_1098 = arith.addf %scan3A_1076, %mul3A_1097 : vector<16xf32>
      %get3A_1099 = arith.index_cast %scan3A_1074 : i32 to index
      %get3A_1100 = arith.constant 32 : index
      %get3A_1101 = tpu.vector_load %arg13[%get3A_1099, %get3A_1100] {strides = array<i32>} : memref<128x128xf32, #tpu.memory_space<vmem>>, vector<1x16xf32>,
      %get3A_1102 = vector.shape_cast %get3A_1101 : vector<1x16xf32> to vector<16xf32>
      %get3A_1103 = arith.index_cast %scan3A_1074 : i32 to index
      %get3A_1104 = arith.constant 96 : index
      %get3A_1105 = tpu.vector_load %arg14[%get3A_1103, %get3A_1104] {strides = array<i32>} : memref<128x128xf32, #tpu.memory_space<vmem>>, vector<1x16xf32>,
      %get3A_1106 = vector.shape_cast %get3A_1105 : vector<1x16xf32> to vector<16xf32>
      %mul3A_1107 = arith.mulf %get3A_1102, %get3A_1106 : vector<16xf32>
      %add3A_1108 = arith.addf %scan3A_1077, %mul3A_1107 : vector<16xf32>
      %get3A_1109 = arith.index_cast %scan3A_1074 : i32 to index
      %get3A_1110 = arith.constant 48 : index
      %get3A_1111 = tpu.vector_load %arg13[%get3A_1109, %get3A_1110] {strides = array<i32>} : memref<128x128xf32, #tpu.memory_space<vmem>>, vector<1x16xf32>,
      %get3A_1112 = vector.shape_cast %get3A_1111 : vector<1x16xf32> to vector<16xf32>
      %get3A_1113 = arith.index_cast %scan3A_1074 : i32 to index
      %get3A_1114 = arith.constant 112 : index
      %get3A_1115 = tpu.vector_load %arg14[%get3A_1113, %get3A_1114] {strides = array<i32>} : memref<128x128xf32, #tpu.memory_space<vmem>>, vector<1x16xf32>,
      %get3A_1116 = vector.shape_cast %get3A_1115 : vector<1x16xf32> to vector<16xf32>
      %mul3A_1117 = arith.mulf %get3A_1112, %get3A_1116 : vector<16xf32>
      %add3A_1118 = arith.addf %scan3A_1078, %mul3A_1117 : vector<16xf32>
      scf.yield %add3A_1088, %add3A_1098, %add3A_1108, %add3A_1118 : vector<16xf32>, vector<16xf32>, vector<16xf32>, vector<16xf32>
    }
    %scan3A_596 = arith.constant 128 : i32
    %dma_start3A_597 = arith.constant 3 : i32
    %dma_start3A_598 = arith.constant 0 : i32
    %dma_start3A_599 = tpu.memref_slice %arg8[%dma_start3A_597, %dma_start3A_598] : memref<4x128xi32, #tpu.memory_space<vmem>> -> memref<1x128xi32, #tpu.memory_space<vmem>>
    %dma_start3A_600 = tpu.memref_squeeze %dma_start3A_599 : memref<1x128xi32, #tpu.memory_space<vmem>> -> memref<128xi32, #tpu.memory_space<vmem>>
    %dma_start3A_601 = arith.constant 0 : i32
    %dma_start3A_602 = arith.constant 0 : i32
    %dma_start3A_603 = tpu.memref_slice %arg4[%dma_start3A_601, %dma_start3A_602] : memref<100000x128xf32, #tpu.memory_space<hbm>> -> memref<100000x128xf32, #tpu.memory_space<hbm>>
    tpu.enqueue_indirect_dma source(%dma_start3A_603 : memref<100000x128xf32, #tpu.memory_space<hbm>>) target(%arg13 : memref<128x128xf32, #tpu.memory_space<vmem>>) offsets(%dma_start3A_600 : memref<128xi32, #tpu.memory_space<vmem>>) semaphore(%arg20 : memref<!tpu.dma_semaphore, #tpu.memory_space<semaphore_mem>>)
    %dma_start3A_604 = arith.constant 3 : i32
    %dma_start3A_605 = arith.constant 0 : i32
    %dma_start3A_606 = tpu.memref_slice %arg9[%dma_start3A_604, %dma_start3A_605] : memref<4x128xi32, #tpu.memory_space<vmem>> -> memref<1x128xi32, #tpu.memory_space<vmem>>
    %dma_start3A_607 = tpu.memref_squeeze %dma_start3A_606 : memref<1x128xi32, #tpu.memory_space<vmem>> -> memref<128xi32, #tpu.memory_space<vmem>>
    %dma_start3A_608 = arith.constant 0 : i32
    %dma_start3A_609 = arith.constant 0 : i32
    %dma_start3A_610 = tpu.memref_slice %arg4[%dma_start3A_608, %dma_start3A_609] : memref<100000x128xf32, #tpu.memory_space<hbm>> -> memref<100000x128xf32, #tpu.memory_space<hbm>>
    tpu.enqueue_indirect_dma source(%dma_start3A_610 : memref<100000x128xf32, #tpu.memory_space<hbm>>) target(%arg14 : memref<128x128xf32, #tpu.memory_space<vmem>>) offsets(%dma_start3A_607 : memref<128xi32, #tpu.memory_space<vmem>>) semaphore(%arg20 : memref<!tpu.dma_semaphore, #tpu.memory_space<semaphore_mem>>)
    %dma_wait3A_611 = arith.constant 2 : i32
    %dma_wait3A_612 = arith.constant 0 : i32
    %dma_wait3A_613 = tpu.memref_slice %arg8[%dma_wait3A_611, %dma_wait3A_612] : memref<4x128xi32, #tpu.memory_space<vmem>> -> memref<1x128xi32, #tpu.memory_space<vmem>>
    %dma_wait3A_614 = tpu.memref_squeeze %dma_wait3A_613 : memref<1x128xi32, #tpu.memory_space<vmem>> -> memref<128xi32, #tpu.memory_space<vmem>>
    %dma_wait3A_615 = arith.constant 0 : i32
    %dma_wait3A_616 = arith.constant 0 : i32
    %dma_wait3A_617 = tpu.memref_slice %arg4[%dma_wait3A_615, %dma_wait3A_616] : memref<100000x128xf32, #tpu.memory_space<hbm>> -> memref<100000x128xf32, #tpu.memory_space<hbm>>
    tpu.wait_indirect_dma semaphore(%arg19 : memref<!tpu.dma_semaphore, #tpu.memory_space<semaphore_mem>>) src(%dma_wait3A_617 : memref<100000x128xf32, #tpu.memory_space<hbm>>) dst(%arg11 : memref<128x128xf32, #tpu.memory_space<vmem>>)
    %dma_wait3A_618 = arith.constant 2 : i32
    %dma_wait3A_619 = arith.constant 0 : i32
    %dma_wait3A_620 = tpu.memref_slice %arg9[%dma_wait3A_618, %dma_wait3A_619] : memref<4x128xi32, #tpu.memory_space<vmem>> -> memref<1x128xi32, #tpu.memory_space<vmem>>
    %dma_wait3A_621 = tpu.memref_squeeze %dma_wait3A_620 : memref<1x128xi32, #tpu.memory_space<vmem>> -> memref<128xi32, #tpu.memory_space<vmem>>
    %dma_wait3A_622 = arith.constant 0 : i32
    %dma_wait3A_623 = arith.constant 0 : i32
    %dma_wait3A_624 = tpu.memref_slice %arg4[%dma_wait3A_622, %dma_wait3A_623] : memref<100000x128xf32, #tpu.memory_space<hbm>> -> memref<100000x128xf32, #tpu.memory_space<hbm>>
    tpu.wait_indirect_dma semaphore(%arg19 : memref<!tpu.dma_semaphore, #tpu.memory_space<semaphore_mem>>) src(%dma_wait3A_624 : memref<100000x128xf32, #tpu.memory_space<hbm>>) dst(%arg12 : memref<128x128xf32, #tpu.memory_space<vmem>>)
    %scan3A_625 = arith.constant 0 : i32
    %scan3A_626 = arith.constant 128 : i32
    %scan3A_627 = arith.addi %scan3A_625, %scan3A_626 : i32
    %scan3A_628 = arith.constant 1 : i32
    %scan3A_629:4 = scf.for %scan3A_1074 = %scan3A_625 to %scan3A_627 step %scan3A_628 iter_args(%scan3A_1075 = %scan3A_595#0, %scan3A_1076 = %scan3A_595#1, %scan3A_1077 = %scan3A_595#2, %scan3A_1078 = %scan3A_595#3) -> (vector<16xf32>, vector<16xf32>, vector<16xf32>, vector<16xf32>)  : i32 {
      %get3A_1079 = arith.index_cast %scan3A_1074 : i32 to index
      %get3A_1080 = arith.constant 0 : index
      %get3A_1081 = tpu.vector_load %arg11[%get3A_1079, %get3A_1080] {strides = array<i32>} : memref<128x128xf32, #tpu.memory_space<vmem>>, vector<1x16xf32>,
      %get3A_1082 = vector.shape_cast %get3A_1081 : vector<1x16xf32> to vector<16xf32>
      %get3A_1083 = arith.index_cast %scan3A_1074 : i32 to index
      %get3A_1084 = arith.constant 64 : index
      %get3A_1085 = tpu.vector_load %arg12[%get3A_1083, %get3A_1084] {strides = array<i32>} : memref<128x128xf32, #tpu.memory_space<vmem>>, vector<1x16xf32>,
      %get3A_1086 = vector.shape_cast %get3A_1085 : vector<1x16xf32> to vector<16xf32>
      %mul3A_1087 = arith.mulf %get3A_1082, %get3A_1086 : vector<16xf32>
      %add3A_1088 = arith.addf %scan3A_1075, %mul3A_1087 : vector<16xf32>
      %get3A_1089 = arith.index_cast %scan3A_1074 : i32 to index
      %get3A_1090 = arith.constant 16 : index
      %get3A_1091 = tpu.vector_load %arg11[%get3A_1089, %get3A_1090] {strides = array<i32>} : memref<128x128xf32, #tpu.memory_space<vmem>>, vector<1x16xf32>,
      %get3A_1092 = vector.shape_cast %get3A_1091 : vector<1x16xf32> to vector<16xf32>
      %get3A_1093 = arith.index_cast %scan3A_1074 : i32 to index
      %get3A_1094 = arith.constant 80 : index
      %get3A_1095 = tpu.vector_load %arg12[%get3A_1093, %get3A_1094] {strides = array<i32>} : memref<128x128xf32, #tpu.memory_space<vmem>>, vector<1x16xf32>,
      %get3A_1096 = vector.shape_cast %get3A_1095 : vector<1x16xf32> to vector<16xf32>
      %mul3A_1097 = arith.mulf %get3A_1092, %get3A_1096 : vector<16xf32>
      %add3A_1098 = arith.addf %scan3A_1076, %mul3A_1097 : vector<16xf32>
      %get3A_1099 = arith.index_cast %scan3A_1074 : i32 to index
      %get3A_1100 = arith.constant 32 : index
      %get3A_1101 = tpu.vector_load %arg11[%get3A_1099, %get3A_1100] {strides = array<i32>} : memref<128x128xf32, #tpu.memory_space<vmem>>, vector<1x16xf32>,
      %get3A_1102 = vector.shape_cast %get3A_1101 : vector<1x16xf32> to vector<16xf32>
      %get3A_1103 = arith.index_cast %scan3A_1074 : i32 to index
      %get3A_1104 = arith.constant 96 : index
      %get3A_1105 = tpu.vector_load %arg12[%get3A_1103, %get3A_1104] {strides = array<i32>} : memref<128x128xf32, #tpu.memory_space<vmem>>, vector<1x16xf32>,
      %get3A_1106 = vector.shape_cast %get3A_1105 : vector<1x16xf32> to vector<16xf32>
      %mul3A_1107 = arith.mulf %get3A_1102, %get3A_1106 : vector<16xf32>
      %add3A_1108 = arith.addf %scan3A_1077, %mul3A_1107 : vector<16xf32>
      %get3A_1109 = arith.index_cast %scan3A_1074 : i32 to index
      %get3A_1110 = arith.constant 48 : index
      %get3A_1111 = tpu.vector_load %arg11[%get3A_1109, %get3A_1110] {strides = array<i32>} : memref<128x128xf32, #tpu.memory_space<vmem>>, vector<1x16xf32>,
      %get3A_1112 = vector.shape_cast %get3A_1111 : vector<1x16xf32> to vector<16xf32>
      %get3A_1113 = arith.index_cast %scan3A_1074 : i32 to index
      %get3A_1114 = arith.constant 112 : index
      %get3A_1115 = tpu.vector_load %arg12[%get3A_1113, %get3A_1114] {strides = array<i32>} : memref<128x128xf32, #tpu.memory_space<vmem>>, vector<1x16xf32>,
      %get3A_1116 = vector.shape_cast %get3A_1115 : vector<1x16xf32> to vector<16xf32>
      %mul3A_1117 = arith.mulf %get3A_1112, %get3A_1116 : vector<16xf32>
      %add3A_1118 = arith.addf %scan3A_1078, %mul3A_1117 : vector<16xf32>
      scf.yield %add3A_1088, %add3A_1098, %add3A_1108, %add3A_1118 : vector<16xf32>, vector<16xf32>, vector<16xf32>, vector<16xf32>
    }
    %scan3A_630 = arith.constant 128 : i32
    %dma_wait3A_631 = arith.constant 3 : i32
    %dma_wait3A_632 = arith.constant 0 : i32
    %dma_wait3A_633 = tpu.memref_slice %arg8[%dma_wait3A_631, %dma_wait3A_632] : memref<4x128xi32, #tpu.memory_space<vmem>> -> memref<1x128xi32, #tpu.memory_space<vmem>>
    %dma_wait3A_634 = tpu.memref_squeeze %dma_wait3A_633 : memref<1x128xi32, #tpu.memory_space<vmem>> -> memref<128xi32, #tpu.memory_space<vmem>>
    %dma_wait3A_635 = arith.constant 0 : i32
    %dma_wait3A_636 = arith.constant 0 : i32
    %dma_wait3A_637 = tpu.memref_slice %arg4[%dma_wait3A_635, %dma_wait3A_636] : memref<100000x128xf32, #tpu.memory_space<hbm>> -> memref<100000x128xf32, #tpu.memory_space<hbm>>
    tpu.wait_indirect_dma semaphore(%arg20 : memref<!tpu.dma_semaphore, #tpu.memory_space<semaphore_mem>>) src(%dma_wait3A_637 : memref<100000x128xf32, #tpu.memory_space<hbm>>) dst(%arg13 : memref<128x128xf32, #tpu.memory_space<vmem>>)
    %dma_wait3A_638 = arith.constant 3 : i32
    %dma_wait3A_639 = arith.constant 0 : i32
    %dma_wait3A_640 = tpu.memref_slice %arg9[%dma_wait3A_638, %dma_wait3A_639] : memref<4x128xi32, #tpu.memory_space<vmem>> -> memref<1x128xi32, #tpu.memory_space<vmem>>
    %dma_wait3A_641 = tpu.memref_squeeze %dma_wait3A_640 : memref<1x128xi32, #tpu.memory_space<vmem>> -> memref<128xi32, #tpu.memory_space<vmem>>
    %dma_wait3A_642 = arith.constant 0 : i32
    %dma_wait3A_643 = arith.constant 0 : i32
    %dma_wait3A_644 = tpu.memref_slice %arg4[%dma_wait3A_642, %dma_wait3A_643] : memref<100000x128xf32, #tpu.memory_space<hbm>> -> memref<100000x128xf32, #tpu.memory_space<hbm>>
    tpu.wait_indirect_dma semaphore(%arg20 : memref<!tpu.dma_semaphore, #tpu.memory_space<semaphore_mem>>) src(%dma_wait3A_644 : memref<100000x128xf32, #tpu.memory_space<hbm>>) dst(%arg14 : memref<128x128xf32, #tpu.memory_space<vmem>>)
    %scan3A_645 = arith.constant 0 : i32
    %scan3A_646 = arith.constant 128 : i32
    %scan3A_647 = arith.addi %scan3A_645, %scan3A_646 : i32
    %scan3A_648 = arith.constant 1 : i32
    %scan3A_649:4 = scf.for %scan3A_1074 = %scan3A_645 to %scan3A_647 step %scan3A_648 iter_args(%scan3A_1075 = %scan3A_629#0, %scan3A_1076 = %scan3A_629#1, %scan3A_1077 = %scan3A_629#2, %scan3A_1078 = %scan3A_629#3) -> (vector<16xf32>, vector<16xf32>, vector<16xf32>, vector<16xf32>)  : i32 {
      %get3A_1079 = arith.index_cast %scan3A_1074 : i32 to index
      %get3A_1080 = arith.constant 0 : index
      %get3A_1081 = tpu.vector_load %arg13[%get3A_1079, %get3A_1080] {strides = array<i32>} : memref<128x128xf32, #tpu.memory_space<vmem>>, vector<1x16xf32>,
      %get3A_1082 = vector.shape_cast %get3A_1081 : vector<1x16xf32> to vector<16xf32>
      %get3A_1083 = arith.index_cast %scan3A_1074 : i32 to index
      %get3A_1084 = arith.constant 64 : index
      %get3A_1085 = tpu.vector_load %arg14[%get3A_1083, %get3A_1084] {strides = array<i32>} : memref<128x128xf32, #tpu.memory_space<vmem>>, vector<1x16xf32>,
      %get3A_1086 = vector.shape_cast %get3A_1085 : vector<1x16xf32> to vector<16xf32>
      %mul3A_1087 = arith.mulf %get3A_1082, %get3A_1086 : vector<16xf32>
      %add3A_1088 = arith.addf %scan3A_1075, %mul3A_1087 : vector<16xf32>
      %get3A_1089 = arith.index_cast %scan3A_1074 : i32 to index
      %get3A_1090 = arith.constant 16 : index
      %get3A_1091 = tpu.vector_load %arg13[%get3A_1089, %get3A_1090] {strides = array<i32>} : memref<128x128xf32, #tpu.memory_space<vmem>>, vector<1x16xf32>,
      %get3A_1092 = vector.shape_cast %get3A_1091 : vector<1x16xf32> to vector<16xf32>
      %get3A_1093 = arith.index_cast %scan3A_1074 : i32 to index
      %get3A_1094 = arith.constant 80 : index
      %get3A_1095 = tpu.vector_load %arg14[%get3A_1093, %get3A_1094] {strides = array<i32>} : memref<128x128xf32, #tpu.memory_space<vmem>>, vector<1x16xf32>,
      %get3A_1096 = vector.shape_cast %get3A_1095 : vector<1x16xf32> to vector<16xf32>
      %mul3A_1097 = arith.mulf %get3A_1092, %get3A_1096 : vector<16xf32>
      %add3A_1098 = arith.addf %scan3A_1076, %mul3A_1097 : vector<16xf32>
      %get3A_1099 = arith.index_cast %scan3A_1074 : i32 to index
      %get3A_1100 = arith.constant 32 : index
      %get3A_1101 = tpu.vector_load %arg13[%get3A_1099, %get3A_1100] {strides = array<i32>} : memref<128x128xf32, #tpu.memory_space<vmem>>, vector<1x16xf32>,
      %get3A_1102 = vector.shape_cast %get3A_1101 : vector<1x16xf32> to vector<16xf32>
      %get3A_1103 = arith.index_cast %scan3A_1074 : i32 to index
      %get3A_1104 = arith.constant 96 : index
      %get3A_1105 = tpu.vector_load %arg14[%get3A_1103, %get3A_1104] {strides = array<i32>} : memref<128x128xf32, #tpu.memory_space<vmem>>, vector<1x16xf32>,
      %get3A_1106 = vector.shape_cast %get3A_1105 : vector<1x16xf32> to vector<16xf32>
      %mul3A_1107 = arith.mulf %get3A_1102, %get3A_1106 : vector<16xf32>
      %add3A_1108 = arith.addf %scan3A_1077, %mul3A_1107 : vector<16xf32>
      %get3A_1109 = arith.index_cast %scan3A_1074 : i32 to index
      %get3A_1110 = arith.constant 48 : index
      %get3A_1111 = tpu.vector_load %arg13[%get3A_1109, %get3A_1110] {strides = array<i32>} : memref<128x128xf32, #tpu.memory_space<vmem>>, vector<1x16xf32>,
      %get3A_1112 = vector.shape_cast %get3A_1111 : vector<1x16xf32> to vector<16xf32>
      %get3A_1113 = arith.index_cast %scan3A_1074 : i32 to index
      %get3A_1114 = arith.constant 112 : index
      %get3A_1115 = tpu.vector_load %arg14[%get3A_1113, %get3A_1114] {strides = array<i32>} : memref<128x128xf32, #tpu.memory_space<vmem>>, vector<1x16xf32>,
      %get3A_1116 = vector.shape_cast %get3A_1115 : vector<1x16xf32> to vector<16xf32>
      %mul3A_1117 = arith.mulf %get3A_1112, %get3A_1116 : vector<16xf32>
      %add3A_1118 = arith.addf %scan3A_1078, %mul3A_1117 : vector<16xf32>
      scf.yield %add3A_1088, %add3A_1098, %add3A_1108, %add3A_1118 : vector<16xf32>, vector<16xf32>, vector<16xf32>, vector<16xf32>
    }
    %scan3A_650 = arith.constant 128 : i32
    %add3A_651 = arith.addf %scan3A_649#0, %scan3A_649#1 : vector<16xf32>
    %add3A_652 = arith.addf %scan3A_649#2, %scan3A_649#3 : vector<16xf32>
    %add3A_653 = arith.addf %add3A_651, %add3A_652 : vector<16xf32>
    %swap3A_654 = arith.constant 0 : index
    %swap3A_655 = tpu.vector_load %arg18[%swap3A_654] {strides = array<i32>} : memref<16xf32, #tpu.memory_space<vmem>>, vector<16xf32>,
    %swap3A_656 = vector.shape_cast %swap3A_655 : vector<16xf32> to vector<16xf32>
    %swap3A_657 = vector.shape_cast %add3A_653 : vector<16xf32> to vector<16xf32>
    tpu.vector_store %arg18[%swap3A_654], %swap3A_657 {strides = array<i32>} : memref<16xf32, #tpu.memory_space<vmem>>, vector<16xf32>,
    "tpu.region"() ({
      %run_scoped3A = tpu.sem_alloc : memref<!tpu.dma_semaphore, #tpu.memory_space<semaphore_mem>>
      %dma_start3A_1074 = arith.constant 0 : i32
      %dma_start3A_1075 = tpu.memref_slice %arg6[%add3A, %dma_start3A_1074] : memref<32x16xf32, #tpu.memory_space<hbm>> -> memref<1x16xf32, #tpu.memory_space<hbm>>
      %dma_start3A_1076 = tpu.memref_squeeze %dma_start3A_1075 : memref<1x16xf32, #tpu.memory_space<hbm>> -> memref<16xf32, #tpu.memory_space<hbm>>
      %dma_start3A_1077 = arith.constant 0 : i32
      %dma_start3A_1078 = tpu.memref_slice %arg6[%add3A, %dma_start3A_1077] : memref<32x16xf32, #tpu.memory_space<hbm>> -> memref<1x16xf32, #tpu.memory_space<hbm>>
      %dma_start3A_1079 = tpu.memref_squeeze %dma_start3A_1078 : memref<1x16xf32, #tpu.memory_space<hbm>> -> memref<16xf32, #tpu.memory_space<hbm>>
      tpu.enqueue_dma source(%arg18 : memref<16xf32, #tpu.memory_space<vmem>>) target(%dma_start3A_1079 : memref<16xf32, #tpu.memory_space<hbm>>) target_semaphore(%run_scoped3A : memref<!tpu.dma_semaphore, #tpu.memory_space<semaphore_mem>>)
      %dma_wait3A_1080 = arith.constant 0 : i32
      %dma_wait3A_1081 = tpu.memref_slice %arg6[%add3A, %dma_wait3A_1080] : memref<32x16xf32, #tpu.memory_space<hbm>> -> memref<1x16xf32, #tpu.memory_space<hbm>>
      %dma_wait3A_1082 = tpu.memref_squeeze %dma_wait3A_1081 : memref<1x16xf32, #tpu.memory_space<hbm>> -> memref<16xf32, #tpu.memory_space<hbm>>
      %dma_wait3A_1083 = arith.constant 0 : i32
      %dma_wait3A_1084 = tpu.memref_slice %arg6[%add3A, %dma_wait3A_1083] : memref<32x16xf32, #tpu.memory_space<hbm>> -> memref<1x16xf32, #tpu.memory_space<hbm>>
      %dma_wait3A_1085 = tpu.memref_squeeze %dma_wait3A_1084 : memref<1x16xf32, #tpu.memory_space<hbm>> -> memref<16xf32, #tpu.memory_space<hbm>>
      tpu.wait_dma2 semaphore(%run_scoped3A : memref<!tpu.dma_semaphore, #tpu.memory_space<semaphore_mem>>) src(%arg18 : memref<16xf32, #tpu.memory_space<vmem>>) dst(%dma_wait3A_1085 : memref<16xf32, #tpu.memory_space<hbm>>)
      tpu.yield
    }) : () -> ()
    %dma_wait3A_658 = arith.constant 0 : i32
    %dma_wait3A_659 = arith.constant 0 : i32
    %dma_wait3A_660 = tpu.memref_slice %arg15[%dma_wait3A_659] : memref<512xf32, #tpu.memory_space<vmem>> -> memref<128xf32, #tpu.memory_space<vmem>>
    %dma_wait3A_661 = arith.constant 0 : i32
    %dma_wait3A_662 = tpu.memref_slice %arg8[%dma_wait3A_658, %dma_wait3A_661] : memref<4x128xi32, #tpu.memory_space<vmem>> -> memref<1x128xi32, #tpu.memory_space<vmem>>
    %dma_wait3A_663 = tpu.memref_squeeze %dma_wait3A_662 : memref<1x128xi32, #tpu.memory_space<vmem>> -> memref<128xi32, #tpu.memory_space<vmem>>
    %dma_wait3A_664 = arith.constant 0 : i32
    %dma_wait3A_665 = tpu.memref_slice %arg5[%dma_wait3A_664] : memref<200000xf32, #tpu.memory_space<hbm>> -> memref<200000xf32, #tpu.memory_space<hbm>>
    tpu.wait_indirect_dma semaphore(%arg21 : memref<!tpu.dma_semaphore, #tpu.memory_space<semaphore_mem>>) src(%dma_wait3A_665 : memref<200000xf32, #tpu.memory_space<hbm>>) dst(%dma_wait3A_660 : memref<128xf32, #tpu.memory_space<vmem>>)
    %dma_wait3A_666 = arith.constant 0 : i32
    %dma_wait3A_667 = arith.constant 0 : i32
    %dma_wait3A_668 = tpu.memref_slice %arg16[%dma_wait3A_667] : memref<512xf32, #tpu.memory_space<vmem>> -> memref<128xf32, #tpu.memory_space<vmem>>
    %dma_wait3A_669 = arith.constant 0 : i32
    %dma_wait3A_670 = tpu.memref_slice %arg10[%dma_wait3A_666, %dma_wait3A_669] : memref<4x128xi32, #tpu.memory_space<vmem>> -> memref<1x128xi32, #tpu.memory_space<vmem>>
    %dma_wait3A_671 = tpu.memref_squeeze %dma_wait3A_670 : memref<1x128xi32, #tpu.memory_space<vmem>> -> memref<128xi32, #tpu.memory_space<vmem>>
    %dma_wait3A_672 = arith.constant 0 : i32
    %dma_wait3A_673 = tpu.memref_slice %arg5[%dma_wait3A_672] : memref<200000xf32, #tpu.memory_space<hbm>> -> memref<200000xf32, #tpu.memory_space<hbm>>
    tpu.wait_indirect_dma semaphore(%arg21 : memref<!tpu.dma_semaphore, #tpu.memory_space<semaphore_mem>>) src(%dma_wait3A_673 : memref<200000xf32, #tpu.memory_space<hbm>>) dst(%dma_wait3A_668 : memref<128xf32, #tpu.memory_space<vmem>>)
    %dma_wait3A_674 = arith.constant 1 : i32
    %dma_wait3A_675 = arith.constant 128 : i32
    %dma_wait3A_676 = tpu.memref_slice %arg15[%dma_wait3A_675] : memref<512xf32, #tpu.memory_space<vmem>> -> memref<128xf32, #tpu.memory_space<vmem>>
    %dma_wait3A_677 = arith.constant 0 : i32
    %dma_wait3A_678 = tpu.memref_slice %arg8[%dma_wait3A_674, %dma_wait3A_677] : memref<4x128xi32, #tpu.memory_space<vmem>> -> memref<1x128xi32, #tpu.memory_space<vmem>>
    %dma_wait3A_679 = tpu.memref_squeeze %dma_wait3A_678 : memref<1x128xi32, #tpu.memory_space<vmem>> -> memref<128xi32, #tpu.memory_space<vmem>>
    %dma_wait3A_680 = arith.constant 0 : i32
    %dma_wait3A_681 = tpu.memref_slice %arg5[%dma_wait3A_680] : memref<200000xf32, #tpu.memory_space<hbm>> -> memref<200000xf32, #tpu.memory_space<hbm>>
    tpu.wait_indirect_dma semaphore(%arg21 : memref<!tpu.dma_semaphore, #tpu.memory_space<semaphore_mem>>) src(%dma_wait3A_681 : memref<200000xf32, #tpu.memory_space<hbm>>) dst(%dma_wait3A_676 : memref<128xf32, #tpu.memory_space<vmem>>)
    %dma_wait3A_682 = arith.constant 1 : i32
    %dma_wait3A_683 = arith.constant 128 : i32
    %dma_wait3A_684 = tpu.memref_slice %arg16[%dma_wait3A_683] : memref<512xf32, #tpu.memory_space<vmem>> -> memref<128xf32, #tpu.memory_space<vmem>>
    %dma_wait3A_685 = arith.constant 0 : i32
    %dma_wait3A_686 = tpu.memref_slice %arg10[%dma_wait3A_682, %dma_wait3A_685] : memref<4x128xi32, #tpu.memory_space<vmem>> -> memref<1x128xi32, #tpu.memory_space<vmem>>
    %dma_wait3A_687 = tpu.memref_squeeze %dma_wait3A_686 : memref<1x128xi32, #tpu.memory_space<vmem>> -> memref<128xi32, #tpu.memory_space<vmem>>
    %dma_wait3A_688 = arith.constant 0 : i32
    %dma_wait3A_689 = tpu.memref_slice %arg5[%dma_wait3A_688] : memref<200000xf32, #tpu.memory_space<hbm>> -> memref<200000xf32, #tpu.memory_space<hbm>>
    tpu.wait_indirect_dma semaphore(%arg21 : memref<!tpu.dma_semaphore, #tpu.memory_space<semaphore_mem>>) src(%dma_wait3A_689 : memref<200000xf32, #tpu.memory_space<hbm>>) dst(%dma_wait3A_684 : memref<128xf32, #tpu.memory_space<vmem>>)
    %dma_wait3A_690 = arith.constant 2 : i32
    %dma_wait3A_691 = arith.constant 256 : i32
    %dma_wait3A_692 = tpu.memref_slice %arg15[%dma_wait3A_691] : memref<512xf32, #tpu.memory_space<vmem>> -> memref<128xf32, #tpu.memory_space<vmem>>
    %dma_wait3A_693 = arith.constant 0 : i32
    %dma_wait3A_694 = tpu.memref_slice %arg8[%dma_wait3A_690, %dma_wait3A_693] : memref<4x128xi32, #tpu.memory_space<vmem>> -> memref<1x128xi32, #tpu.memory_space<vmem>>
    %dma_wait3A_695 = tpu.memref_squeeze %dma_wait3A_694 : memref<1x128xi32, #tpu.memory_space<vmem>> -> memref<128xi32, #tpu.memory_space<vmem>>
    %dma_wait3A_696 = arith.constant 0 : i32
    %dma_wait3A_697 = tpu.memref_slice %arg5[%dma_wait3A_696] : memref<200000xf32, #tpu.memory_space<hbm>> -> memref<200000xf32, #tpu.memory_space<hbm>>
    tpu.wait_indirect_dma semaphore(%arg21 : memref<!tpu.dma_semaphore, #tpu.memory_space<semaphore_mem>>) src(%dma_wait3A_697 : memref<200000xf32, #tpu.memory_space<hbm>>) dst(%dma_wait3A_692 : memref<128xf32, #tpu.memory_space<vmem>>)
    %dma_wait3A_698 = arith.constant 2 : i32
    %dma_wait3A_699 = arith.constant 256 : i32
    %dma_wait3A_700 = tpu.memref_slice %arg16[%dma_wait3A_699] : memref<512xf32, #tpu.memory_space<vmem>> -> memref<128xf32, #tpu.memory_space<vmem>>
    %dma_wait3A_701 = arith.constant 0 : i32
    %dma_wait3A_702 = tpu.memref_slice %arg10[%dma_wait3A_698, %dma_wait3A_701] : memref<4x128xi32, #tpu.memory_space<vmem>> -> memref<1x128xi32, #tpu.memory_space<vmem>>
    %dma_wait3A_703 = tpu.memref_squeeze %dma_wait3A_702 : memref<1x128xi32, #tpu.memory_space<vmem>> -> memref<128xi32, #tpu.memory_space<vmem>>
    %dma_wait3A_704 = arith.constant 0 : i32
    %dma_wait3A_705 = tpu.memref_slice %arg5[%dma_wait3A_704] : memref<200000xf32, #tpu.memory_space<hbm>> -> memref<200000xf32, #tpu.memory_space<hbm>>
    tpu.wait_indirect_dma semaphore(%arg21 : memref<!tpu.dma_semaphore, #tpu.memory_space<semaphore_mem>>) src(%dma_wait3A_705 : memref<200000xf32, #tpu.memory_space<hbm>>) dst(%dma_wait3A_700 : memref<128xf32, #tpu.memory_space<vmem>>)
    %dma_wait3A_706 = arith.constant 3 : i32
    %dma_wait3A_707 = arith.constant 384 : i32
    %dma_wait3A_708 = tpu.memref_slice %arg15[%dma_wait3A_707] : memref<512xf32, #tpu.memory_space<vmem>> -> memref<128xf32, #tpu.memory_space<vmem>>
    %dma_wait3A_709 = arith.constant 0 : i32
    %dma_wait3A_710 = tpu.memref_slice %arg8[%dma_wait3A_706, %dma_wait3A_709] : memref<4x128xi32, #tpu.memory_space<vmem>> -> memref<1x128xi32, #tpu.memory_space<vmem>>
    %dma_wait3A_711 = tpu.memref_squeeze %dma_wait3A_710 : memref<1x128xi32, #tpu.memory_space<vmem>> -> memref<128xi32, #tpu.memory_space<vmem>>
    %dma_wait3A_712 = arith.constant 0 : i32
    %dma_wait3A_713 = tpu.memref_slice %arg5[%dma_wait3A_712] : memref<200000xf32, #tpu.memory_space<hbm>> -> memref<200000xf32, #tpu.memory_space<hbm>>
    tpu.wait_indirect_dma semaphore(%arg21 : memref<!tpu.dma_semaphore, #tpu.memory_space<semaphore_mem>>) src(%dma_wait3A_713 : memref<200000xf32, #tpu.memory_space<hbm>>) dst(%dma_wait3A_708 : memref<128xf32, #tpu.memory_space<vmem>>)
    %dma_wait3A_714 = arith.constant 3 : i32
    %dma_wait3A_715 = arith.constant 384 : i32
    %dma_wait3A_716 = tpu.memref_slice %arg16[%dma_wait3A_715] : memref<512xf32, #tpu.memory_space<vmem>> -> memref<128xf32, #tpu.memory_space<vmem>>
    %dma_wait3A_717 = arith.constant 0 : i32
    %dma_wait3A_718 = tpu.memref_slice %arg10[%dma_wait3A_714, %dma_wait3A_717] : memref<4x128xi32, #tpu.memory_space<vmem>> -> memref<1x128xi32, #tpu.memory_space<vmem>>
    %dma_wait3A_719 = tpu.memref_squeeze %dma_wait3A_718 : memref<1x128xi32, #tpu.memory_space<vmem>> -> memref<128xi32, #tpu.memory_space<vmem>>
    %dma_wait3A_720 = arith.constant 0 : i32
    %dma_wait3A_721 = tpu.memref_slice %arg5[%dma_wait3A_720] : memref<200000xf32, #tpu.memory_space<hbm>> -> memref<200000xf32, #tpu.memory_space<hbm>>
    tpu.wait_indirect_dma semaphore(%arg21 : memref<!tpu.dma_semaphore, #tpu.memory_space<semaphore_mem>>) src(%dma_wait3A_721 : memref<200000xf32, #tpu.memory_space<hbm>>) dst(%dma_wait3A_716 : memref<128xf32, #tpu.memory_space<vmem>>)
    %get3A_722 = arith.constant 0 : index
    %get3A_723 = tpu.vector_load %arg15[%get3A_722] {strides = array<i32>} : memref<512xf32, #tpu.memory_space<vmem>>, vector<16xf32>,
    %get3A_724 = vector.shape_cast %get3A_723 : vector<16xf32> to vector<16xf32>
    %get3A_725 = arith.constant 0 : index
    %get3A_726 = tpu.vector_load %arg16[%get3A_725] {strides = array<i32>} : memref<512xf32, #tpu.memory_space<vmem>>, vector<16xf32>,
    %get3A_727 = vector.shape_cast %get3A_726 : vector<16xf32> to vector<16xf32>
    %add3A_728 = arith.addf %get3A_724, %get3A_727 : vector<16xf32>
    %swap3A_729 = arith.constant 0 : index
    %swap3A_730 = tpu.vector_load %arg17[%swap3A_729] {strides = array<i32>} : memref<512xf32, #tpu.memory_space<vmem>>, vector<16xf32>,
    %swap3A_731 = vector.shape_cast %swap3A_730 : vector<16xf32> to vector<16xf32>
    %swap3A_732 = vector.shape_cast %add3A_728 : vector<16xf32> to vector<16xf32>
    tpu.vector_store %arg17[%swap3A_729], %swap3A_732 {strides = array<i32>} : memref<512xf32, #tpu.memory_space<vmem>>, vector<16xf32>,
    %get3A_733 = arith.constant 16 : index
    %get3A_734 = tpu.vector_load %arg15[%get3A_733] {strides = array<i32>} : memref<512xf32, #tpu.memory_space<vmem>>, vector<16xf32>,
    %get3A_735 = vector.shape_cast %get3A_734 : vector<16xf32> to vector<16xf32>
    %get3A_736 = arith.constant 16 : index
    %get3A_737 = tpu.vector_load %arg16[%get3A_736] {strides = array<i32>} : memref<512xf32, #tpu.memory_space<vmem>>, vector<16xf32>,
    %get3A_738 = vector.shape_cast %get3A_737 : vector<16xf32> to vector<16xf32>
    %add3A_739 = arith.addf %get3A_735, %get3A_738 : vector<16xf32>
    %swap3A_740 = arith.constant 16 : index
    %swap3A_741 = tpu.vector_load %arg17[%swap3A_740] {strides = array<i32>} : memref<512xf32, #tpu.memory_space<vmem>>, vector<16xf32>,
    %swap3A_742 = vector.shape_cast %swap3A_741 : vector<16xf32> to vector<16xf32>
    %swap3A_743 = vector.shape_cast %add3A_739 : vector<16xf32> to vector<16xf32>
    tpu.vector_store %arg17[%swap3A_740], %swap3A_743 {strides = array<i32>} : memref<512xf32, #tpu.memory_space<vmem>>, vector<16xf32>,
    %get3A_744 = arith.constant 32 : index
    %get3A_745 = tpu.vector_load %arg15[%get3A_744] {strides = array<i32>} : memref<512xf32, #tpu.memory_space<vmem>>, vector<16xf32>,
    %get3A_746 = vector.shape_cast %get3A_745 : vector<16xf32> to vector<16xf32>
    %get3A_747 = arith.constant 32 : index
    %get3A_748 = tpu.vector_load %arg16[%get3A_747] {strides = array<i32>} : memref<512xf32, #tpu.memory_space<vmem>>, vector<16xf32>,
    %get3A_749 = vector.shape_cast %get3A_748 : vector<16xf32> to vector<16xf32>
    %add3A_750 = arith.addf %get3A_746, %get3A_749 : vector<16xf32>
    %swap3A_751 = arith.constant 32 : index
    %swap3A_752 = tpu.vector_load %arg17[%swap3A_751] {strides = array<i32>} : memref<512xf32, #tpu.memory_space<vmem>>, vector<16xf32>,
    %swap3A_753 = vector.shape_cast %swap3A_752 : vector<16xf32> to vector<16xf32>
    %swap3A_754 = vector.shape_cast %add3A_750 : vector<16xf32> to vector<16xf32>
    tpu.vector_store %arg17[%swap3A_751], %swap3A_754 {strides = array<i32>} : memref<512xf32, #tpu.memory_space<vmem>>, vector<16xf32>,
    %get3A_755 = arith.constant 48 : index
    %get3A_756 = tpu.vector_load %arg15[%get3A_755] {strides = array<i32>} : memref<512xf32, #tpu.memory_space<vmem>>, vector<16xf32>,
    %get3A_757 = vector.shape_cast %get3A_756 : vector<16xf32> to vector<16xf32>
    %get3A_758 = arith.constant 48 : index
    %get3A_759 = tpu.vector_load %arg16[%get3A_758] {strides = array<i32>} : memref<512xf32, #tpu.memory_space<vmem>>, vector<16xf32>,
    %get3A_760 = vector.shape_cast %get3A_759 : vector<16xf32> to vector<16xf32>
    %add3A_761 = arith.addf %get3A_757, %get3A_760 : vector<16xf32>
    %swap3A_762 = arith.constant 48 : index
    %swap3A_763 = tpu.vector_load %arg17[%swap3A_762] {strides = array<i32>} : memref<512xf32, #tpu.memory_space<vmem>>, vector<16xf32>,
    %swap3A_764 = vector.shape_cast %swap3A_763 : vector<16xf32> to vector<16xf32>
    %swap3A_765 = vector.shape_cast %add3A_761 : vector<16xf32> to vector<16xf32>
    tpu.vector_store %arg17[%swap3A_762], %swap3A_765 {strides = array<i32>} : memref<512xf32, #tpu.memory_space<vmem>>, vector<16xf32>,
    %get3A_766 = arith.constant 64 : index
    %get3A_767 = tpu.vector_load %arg15[%get3A_766] {strides = array<i32>} : memref<512xf32, #tpu.memory_space<vmem>>, vector<16xf32>,
    %get3A_768 = vector.shape_cast %get3A_767 : vector<16xf32> to vector<16xf32>
    %get3A_769 = arith.constant 64 : index
    %get3A_770 = tpu.vector_load %arg16[%get3A_769] {strides = array<i32>} : memref<512xf32, #tpu.memory_space<vmem>>, vector<16xf32>,
    %get3A_771 = vector.shape_cast %get3A_770 : vector<16xf32> to vector<16xf32>
    %add3A_772 = arith.addf %get3A_768, %get3A_771 : vector<16xf32>
    %swap3A_773 = arith.constant 64 : index
    %swap3A_774 = tpu.vector_load %arg17[%swap3A_773] {strides = array<i32>} : memref<512xf32, #tpu.memory_space<vmem>>, vector<16xf32>,
    %swap3A_775 = vector.shape_cast %swap3A_774 : vector<16xf32> to vector<16xf32>
    %swap3A_776 = vector.shape_cast %add3A_772 : vector<16xf32> to vector<16xf32>
    tpu.vector_store %arg17[%swap3A_773], %swap3A_776 {strides = array<i32>} : memref<512xf32, #tpu.memory_space<vmem>>, vector<16xf32>,
    %get3A_777 = arith.constant 80 : index
    %get3A_778 = tpu.vector_load %arg15[%get3A_777] {strides = array<i32>} : memref<512xf32, #tpu.memory_space<vmem>>, vector<16xf32>,
    %get3A_779 = vector.shape_cast %get3A_778 : vector<16xf32> to vector<16xf32>
    %get3A_780 = arith.constant 80 : index
    %get3A_781 = tpu.vector_load %arg16[%get3A_780] {strides = array<i32>} : memref<512xf32, #tpu.memory_space<vmem>>, vector<16xf32>,
    %get3A_782 = vector.shape_cast %get3A_781 : vector<16xf32> to vector<16xf32>
    %add3A_783 = arith.addf %get3A_779, %get3A_782 : vector<16xf32>
    %swap3A_784 = arith.constant 80 : index
    %swap3A_785 = tpu.vector_load %arg17[%swap3A_784] {strides = array<i32>} : memref<512xf32, #tpu.memory_space<vmem>>, vector<16xf32>,
    %swap3A_786 = vector.shape_cast %swap3A_785 : vector<16xf32> to vector<16xf32>
    %swap3A_787 = vector.shape_cast %add3A_783 : vector<16xf32> to vector<16xf32>
    tpu.vector_store %arg17[%swap3A_784], %swap3A_787 {strides = array<i32>} : memref<512xf32, #tpu.memory_space<vmem>>, vector<16xf32>,
    %get3A_788 = arith.constant 96 : index
    %get3A_789 = tpu.vector_load %arg15[%get3A_788] {strides = array<i32>} : memref<512xf32, #tpu.memory_space<vmem>>, vector<16xf32>,
    %get3A_790 = vector.shape_cast %get3A_789 : vector<16xf32> to vector<16xf32>
    %get3A_791 = arith.constant 96 : index
    %get3A_792 = tpu.vector_load %arg16[%get3A_791] {strides = array<i32>} : memref<512xf32, #tpu.memory_space<vmem>>, vector<16xf32>,
    %get3A_793 = vector.shape_cast %get3A_792 : vector<16xf32> to vector<16xf32>
    %add3A_794 = arith.addf %get3A_790, %get3A_793 : vector<16xf32>
    %swap3A_795 = arith.constant 96 : index
    %swap3A_796 = tpu.vector_load %arg17[%swap3A_795] {strides = array<i32>} : memref<512xf32, #tpu.memory_space<vmem>>, vector<16xf32>,
    %swap3A_797 = vector.shape_cast %swap3A_796 : vector<16xf32> to vector<16xf32>
    %swap3A_798 = vector.shape_cast %add3A_794 : vector<16xf32> to vector<16xf32>
    tpu.vector_store %arg17[%swap3A_795], %swap3A_798 {strides = array<i32>} : memref<512xf32, #tpu.memory_space<vmem>>, vector<16xf32>,
    %get3A_799 = arith.constant 112 : index
    %get3A_800 = tpu.vector_load %arg15[%get3A_799] {strides = array<i32>} : memref<512xf32, #tpu.memory_space<vmem>>, vector<16xf32>,
    %get3A_801 = vector.shape_cast %get3A_800 : vector<16xf32> to vector<16xf32>
    %get3A_802 = arith.constant 112 : index
    %get3A_803 = tpu.vector_load %arg16[%get3A_802] {strides = array<i32>} : memref<512xf32, #tpu.memory_space<vmem>>, vector<16xf32>,
    %get3A_804 = vector.shape_cast %get3A_803 : vector<16xf32> to vector<16xf32>
    %add3A_805 = arith.addf %get3A_801, %get3A_804 : vector<16xf32>
    %swap3A_806 = arith.constant 112 : index
    %swap3A_807 = tpu.vector_load %arg17[%swap3A_806] {strides = array<i32>} : memref<512xf32, #tpu.memory_space<vmem>>, vector<16xf32>,
    %swap3A_808 = vector.shape_cast %swap3A_807 : vector<16xf32> to vector<16xf32>
    %swap3A_809 = vector.shape_cast %add3A_805 : vector<16xf32> to vector<16xf32>
    tpu.vector_store %arg17[%swap3A_806], %swap3A_809 {strides = array<i32>} : memref<512xf32, #tpu.memory_space<vmem>>, vector<16xf32>,
    %get3A_810 = arith.constant 128 : index
    %get3A_811 = tpu.vector_load %arg15[%get3A_810] {strides = array<i32>} : memref<512xf32, #tpu.memory_space<vmem>>, vector<16xf32>,
    %get3A_812 = vector.shape_cast %get3A_811 : vector<16xf32> to vector<16xf32>
    %get3A_813 = arith.constant 128 : index
    %get3A_814 = tpu.vector_load %arg16[%get3A_813] {strides = array<i32>} : memref<512xf32, #tpu.memory_space<vmem>>, vector<16xf32>,
    %get3A_815 = vector.shape_cast %get3A_814 : vector<16xf32> to vector<16xf32>
    %add3A_816 = arith.addf %get3A_812, %get3A_815 : vector<16xf32>
    %swap3A_817 = arith.constant 128 : index
    %swap3A_818 = tpu.vector_load %arg17[%swap3A_817] {strides = array<i32>} : memref<512xf32, #tpu.memory_space<vmem>>, vector<16xf32>,
    %swap3A_819 = vector.shape_cast %swap3A_818 : vector<16xf32> to vector<16xf32>
    %swap3A_820 = vector.shape_cast %add3A_816 : vector<16xf32> to vector<16xf32>
    tpu.vector_store %arg17[%swap3A_817], %swap3A_820 {strides = array<i32>} : memref<512xf32, #tpu.memory_space<vmem>>, vector<16xf32>,
    %get3A_821 = arith.constant 144 : index
    %get3A_822 = tpu.vector_load %arg15[%get3A_821] {strides = array<i32>} : memref<512xf32, #tpu.memory_space<vmem>>, vector<16xf32>,
    %get3A_823 = vector.shape_cast %get3A_822 : vector<16xf32> to vector<16xf32>
    %get3A_824 = arith.constant 144 : index
    %get3A_825 = tpu.vector_load %arg16[%get3A_824] {strides = array<i32>} : memref<512xf32, #tpu.memory_space<vmem>>, vector<16xf32>,
    %get3A_826 = vector.shape_cast %get3A_825 : vector<16xf32> to vector<16xf32>
    %add3A_827 = arith.addf %get3A_823, %get3A_826 : vector<16xf32>
    %swap3A_828 = arith.constant 144 : index
    %swap3A_829 = tpu.vector_load %arg17[%swap3A_828] {strides = array<i32>} : memref<512xf32, #tpu.memory_space<vmem>>, vector<16xf32>,
    %swap3A_830 = vector.shape_cast %swap3A_829 : vector<16xf32> to vector<16xf32>
    %swap3A_831 = vector.shape_cast %add3A_827 : vector<16xf32> to vector<16xf32>
    tpu.vector_store %arg17[%swap3A_828], %swap3A_831 {strides = array<i32>} : memref<512xf32, #tpu.memory_space<vmem>>, vector<16xf32>,
    %get3A_832 = arith.constant 160 : index
    %get3A_833 = tpu.vector_load %arg15[%get3A_832] {strides = array<i32>} : memref<512xf32, #tpu.memory_space<vmem>>, vector<16xf32>,
    %get3A_834 = vector.shape_cast %get3A_833 : vector<16xf32> to vector<16xf32>
    %get3A_835 = arith.constant 160 : index
    %get3A_836 = tpu.vector_load %arg16[%get3A_835] {strides = array<i32>} : memref<512xf32, #tpu.memory_space<vmem>>, vector<16xf32>,
    %get3A_837 = vector.shape_cast %get3A_836 : vector<16xf32> to vector<16xf32>
    %add3A_838 = arith.addf %get3A_834, %get3A_837 : vector<16xf32>
    %swap3A_839 = arith.constant 160 : index
    %swap3A_840 = tpu.vector_load %arg17[%swap3A_839] {strides = array<i32>} : memref<512xf32, #tpu.memory_space<vmem>>, vector<16xf32>,
    %swap3A_841 = vector.shape_cast %swap3A_840 : vector<16xf32> to vector<16xf32>
    %swap3A_842 = vector.shape_cast %add3A_838 : vector<16xf32> to vector<16xf32>
    tpu.vector_store %arg17[%swap3A_839], %swap3A_842 {strides = array<i32>} : memref<512xf32, #tpu.memory_space<vmem>>, vector<16xf32>,
    %get3A_843 = arith.constant 176 : index
    %get3A_844 = tpu.vector_load %arg15[%get3A_843] {strides = array<i32>} : memref<512xf32, #tpu.memory_space<vmem>>, vector<16xf32>,
    %get3A_845 = vector.shape_cast %get3A_844 : vector<16xf32> to vector<16xf32>
    %get3A_846 = arith.constant 176 : index
    %get3A_847 = tpu.vector_load %arg16[%get3A_846] {strides = array<i32>} : memref<512xf32, #tpu.memory_space<vmem>>, vector<16xf32>,
    %get3A_848 = vector.shape_cast %get3A_847 : vector<16xf32> to vector<16xf32>
    %add3A_849 = arith.addf %get3A_845, %get3A_848 : vector<16xf32>
    %swap3A_850 = arith.constant 176 : index
    %swap3A_851 = tpu.vector_load %arg17[%swap3A_850] {strides = array<i32>} : memref<512xf32, #tpu.memory_space<vmem>>, vector<16xf32>,
    %swap3A_852 = vector.shape_cast %swap3A_851 : vector<16xf32> to vector<16xf32>
    %swap3A_853 = vector.shape_cast %add3A_849 : vector<16xf32> to vector<16xf32>
    tpu.vector_store %arg17[%swap3A_850], %swap3A_853 {strides = array<i32>} : memref<512xf32, #tpu.memory_space<vmem>>, vector<16xf32>,
    %get3A_854 = arith.constant 192 : index
    %get3A_855 = tpu.vector_load %arg15[%get3A_854] {strides = array<i32>} : memref<512xf32, #tpu.memory_space<vmem>>, vector<16xf32>,
    %get3A_856 = vector.shape_cast %get3A_855 : vector<16xf32> to vector<16xf32>
    %get3A_857 = arith.constant 192 : index
    %get3A_858 = tpu.vector_load %arg16[%get3A_857] {strides = array<i32>} : memref<512xf32, #tpu.memory_space<vmem>>, vector<16xf32>,
    %get3A_859 = vector.shape_cast %get3A_858 : vector<16xf32> to vector<16xf32>
    %add3A_860 = arith.addf %get3A_856, %get3A_859 : vector<16xf32>
    %swap3A_861 = arith.constant 192 : index
    %swap3A_862 = tpu.vector_load %arg17[%swap3A_861] {strides = array<i32>} : memref<512xf32, #tpu.memory_space<vmem>>, vector<16xf32>,
    %swap3A_863 = vector.shape_cast %swap3A_862 : vector<16xf32> to vector<16xf32>
    %swap3A_864 = vector.shape_cast %add3A_860 : vector<16xf32> to vector<16xf32>
    tpu.vector_store %arg17[%swap3A_861], %swap3A_864 {strides = array<i32>} : memref<512xf32, #tpu.memory_space<vmem>>, vector<16xf32>,
    %get3A_865 = arith.constant 208 : index
    %get3A_866 = tpu.vector_load %arg15[%get3A_865] {strides = array<i32>} : memref<512xf32, #tpu.memory_space<vmem>>, vector<16xf32>,
    %get3A_867 = vector.shape_cast %get3A_866 : vector<16xf32> to vector<16xf32>
    %get3A_868 = arith.constant 208 : index
    %get3A_869 = tpu.vector_load %arg16[%get3A_868] {strides = array<i32>} : memref<512xf32, #tpu.memory_space<vmem>>, vector<16xf32>,
    %get3A_870 = vector.shape_cast %get3A_869 : vector<16xf32> to vector<16xf32>
    %add3A_871 = arith.addf %get3A_867, %get3A_870 : vector<16xf32>
    %swap3A_872 = arith.constant 208 : index
    %swap3A_873 = tpu.vector_load %arg17[%swap3A_872] {strides = array<i32>} : memref<512xf32, #tpu.memory_space<vmem>>, vector<16xf32>,
    %swap3A_874 = vector.shape_cast %swap3A_873 : vector<16xf32> to vector<16xf32>
    %swap3A_875 = vector.shape_cast %add3A_871 : vector<16xf32> to vector<16xf32>
    tpu.vector_store %arg17[%swap3A_872], %swap3A_875 {strides = array<i32>} : memref<512xf32, #tpu.memory_space<vmem>>, vector<16xf32>,
    %get3A_876 = arith.constant 224 : index
    %get3A_877 = tpu.vector_load %arg15[%get3A_876] {strides = array<i32>} : memref<512xf32, #tpu.memory_space<vmem>>, vector<16xf32>,
    %get3A_878 = vector.shape_cast %get3A_877 : vector<16xf32> to vector<16xf32>
    %get3A_879 = arith.constant 224 : index
    %get3A_880 = tpu.vector_load %arg16[%get3A_879] {strides = array<i32>} : memref<512xf32, #tpu.memory_space<vmem>>, vector<16xf32>,
    %get3A_881 = vector.shape_cast %get3A_880 : vector<16xf32> to vector<16xf32>
    %add3A_882 = arith.addf %get3A_878, %get3A_881 : vector<16xf32>
    %swap3A_883 = arith.constant 224 : index
    %swap3A_884 = tpu.vector_load %arg17[%swap3A_883] {strides = array<i32>} : memref<512xf32, #tpu.memory_space<vmem>>, vector<16xf32>,
    %swap3A_885 = vector.shape_cast %swap3A_884 : vector<16xf32> to vector<16xf32>
    %swap3A_886 = vector.shape_cast %add3A_882 : vector<16xf32> to vector<16xf32>
    tpu.vector_store %arg17[%swap3A_883], %swap3A_886 {strides = array<i32>} : memref<512xf32, #tpu.memory_space<vmem>>, vector<16xf32>,
    %get3A_887 = arith.constant 240 : index
    %get3A_888 = tpu.vector_load %arg15[%get3A_887] {strides = array<i32>} : memref<512xf32, #tpu.memory_space<vmem>>, vector<16xf32>,
    %get3A_889 = vector.shape_cast %get3A_888 : vector<16xf32> to vector<16xf32>
    %get3A_890 = arith.constant 240 : index
    %get3A_891 = tpu.vector_load %arg16[%get3A_890] {strides = array<i32>} : memref<512xf32, #tpu.memory_space<vmem>>, vector<16xf32>,
    %get3A_892 = vector.shape_cast %get3A_891 : vector<16xf32> to vector<16xf32>
    %add3A_893 = arith.addf %get3A_889, %get3A_892 : vector<16xf32>
    %swap3A_894 = arith.constant 240 : index
    %swap3A_895 = tpu.vector_load %arg17[%swap3A_894] {strides = array<i32>} : memref<512xf32, #tpu.memory_space<vmem>>, vector<16xf32>,
    %swap3A_896 = vector.shape_cast %swap3A_895 : vector<16xf32> to vector<16xf32>
    %swap3A_897 = vector.shape_cast %add3A_893 : vector<16xf32> to vector<16xf32>
    tpu.vector_store %arg17[%swap3A_894], %swap3A_897 {strides = array<i32>} : memref<512xf32, #tpu.memory_space<vmem>>, vector<16xf32>,
    %get3A_898 = arith.constant 256 : index
    %get3A_899 = tpu.vector_load %arg15[%get3A_898] {strides = array<i32>} : memref<512xf32, #tpu.memory_space<vmem>>, vector<16xf32>,
    %get3A_900 = vector.shape_cast %get3A_899 : vector<16xf32> to vector<16xf32>
    %get3A_901 = arith.constant 256 : index
    %get3A_902 = tpu.vector_load %arg16[%get3A_901] {strides = array<i32>} : memref<512xf32, #tpu.memory_space<vmem>>, vector<16xf32>,
    %get3A_903 = vector.shape_cast %get3A_902 : vector<16xf32> to vector<16xf32>
    %add3A_904 = arith.addf %get3A_900, %get3A_903 : vector<16xf32>
    %swap3A_905 = arith.constant 256 : index
    %swap3A_906 = tpu.vector_load %arg17[%swap3A_905] {strides = array<i32>} : memref<512xf32, #tpu.memory_space<vmem>>, vector<16xf32>,
    %swap3A_907 = vector.shape_cast %swap3A_906 : vector<16xf32> to vector<16xf32>
    %swap3A_908 = vector.shape_cast %add3A_904 : vector<16xf32> to vector<16xf32>
    tpu.vector_store %arg17[%swap3A_905], %swap3A_908 {strides = array<i32>} : memref<512xf32, #tpu.memory_space<vmem>>, vector<16xf32>,
    %get3A_909 = arith.constant 272 : index
    %get3A_910 = tpu.vector_load %arg15[%get3A_909] {strides = array<i32>} : memref<512xf32, #tpu.memory_space<vmem>>, vector<16xf32>,
    %get3A_911 = vector.shape_cast %get3A_910 : vector<16xf32> to vector<16xf32>
    %get3A_912 = arith.constant 272 : index
    %get3A_913 = tpu.vector_load %arg16[%get3A_912] {strides = array<i32>} : memref<512xf32, #tpu.memory_space<vmem>>, vector<16xf32>,
    %get3A_914 = vector.shape_cast %get3A_913 : vector<16xf32> to vector<16xf32>
    %add3A_915 = arith.addf %get3A_911, %get3A_914 : vector<16xf32>
    %swap3A_916 = arith.constant 272 : index
    %swap3A_917 = tpu.vector_load %arg17[%swap3A_916] {strides = array<i32>} : memref<512xf32, #tpu.memory_space<vmem>>, vector<16xf32>,
    %swap3A_918 = vector.shape_cast %swap3A_917 : vector<16xf32> to vector<16xf32>
    %swap3A_919 = vector.shape_cast %add3A_915 : vector<16xf32> to vector<16xf32>
    tpu.vector_store %arg17[%swap3A_916], %swap3A_919 {strides = array<i32>} : memref<512xf32, #tpu.memory_space<vmem>>, vector<16xf32>,
    %get3A_920 = arith.constant 288 : index
    %get3A_921 = tpu.vector_load %arg15[%get3A_920] {strides = array<i32>} : memref<512xf32, #tpu.memory_space<vmem>>, vector<16xf32>,
    %get3A_922 = vector.shape_cast %get3A_921 : vector<16xf32> to vector<16xf32>
    %get3A_923 = arith.constant 288 : index
    %get3A_924 = tpu.vector_load %arg16[%get3A_923] {strides = array<i32>} : memref<512xf32, #tpu.memory_space<vmem>>, vector<16xf32>,
    %get3A_925 = vector.shape_cast %get3A_924 : vector<16xf32> to vector<16xf32>
    %add3A_926 = arith.addf %get3A_922, %get3A_925 : vector<16xf32>
    %swap3A_927 = arith.constant 288 : index
    %swap3A_928 = tpu.vector_load %arg17[%swap3A_927] {strides = array<i32>} : memref<512xf32, #tpu.memory_space<vmem>>, vector<16xf32>,
    %swap3A_929 = vector.shape_cast %swap3A_928 : vector<16xf32> to vector<16xf32>
    %swap3A_930 = vector.shape_cast %add3A_926 : vector<16xf32> to vector<16xf32>
    tpu.vector_store %arg17[%swap3A_927], %swap3A_930 {strides = array<i32>} : memref<512xf32, #tpu.memory_space<vmem>>, vector<16xf32>,
    %get3A_931 = arith.constant 304 : index
    %get3A_932 = tpu.vector_load %arg15[%get3A_931] {strides = array<i32>} : memref<512xf32, #tpu.memory_space<vmem>>, vector<16xf32>,
    %get3A_933 = vector.shape_cast %get3A_932 : vector<16xf32> to vector<16xf32>
    %get3A_934 = arith.constant 304 : index
    %get3A_935 = tpu.vector_load %arg16[%get3A_934] {strides = array<i32>} : memref<512xf32, #tpu.memory_space<vmem>>, vector<16xf32>,
    %get3A_936 = vector.shape_cast %get3A_935 : vector<16xf32> to vector<16xf32>
    %add3A_937 = arith.addf %get3A_933, %get3A_936 : vector<16xf32>
    %swap3A_938 = arith.constant 304 : index
    %swap3A_939 = tpu.vector_load %arg17[%swap3A_938] {strides = array<i32>} : memref<512xf32, #tpu.memory_space<vmem>>, vector<16xf32>,
    %swap3A_940 = vector.shape_cast %swap3A_939 : vector<16xf32> to vector<16xf32>
    %swap3A_941 = vector.shape_cast %add3A_937 : vector<16xf32> to vector<16xf32>
    tpu.vector_store %arg17[%swap3A_938], %swap3A_941 {strides = array<i32>} : memref<512xf32, #tpu.memory_space<vmem>>, vector<16xf32>,
    %get3A_942 = arith.constant 320 : index
    %get3A_943 = tpu.vector_load %arg15[%get3A_942] {strides = array<i32>} : memref<512xf32, #tpu.memory_space<vmem>>, vector<16xf32>,
    %get3A_944 = vector.shape_cast %get3A_943 : vector<16xf32> to vector<16xf32>
    %get3A_945 = arith.constant 320 : index
    %get3A_946 = tpu.vector_load %arg16[%get3A_945] {strides = array<i32>} : memref<512xf32, #tpu.memory_space<vmem>>, vector<16xf32>,
    %get3A_947 = vector.shape_cast %get3A_946 : vector<16xf32> to vector<16xf32>
    %add3A_948 = arith.addf %get3A_944, %get3A_947 : vector<16xf32>
    %swap3A_949 = arith.constant 320 : index
    %swap3A_950 = tpu.vector_load %arg17[%swap3A_949] {strides = array<i32>} : memref<512xf32, #tpu.memory_space<vmem>>, vector<16xf32>,
    %swap3A_951 = vector.shape_cast %swap3A_950 : vector<16xf32> to vector<16xf32>
    %swap3A_952 = vector.shape_cast %add3A_948 : vector<16xf32> to vector<16xf32>
    tpu.vector_store %arg17[%swap3A_949], %swap3A_952 {strides = array<i32>} : memref<512xf32, #tpu.memory_space<vmem>>, vector<16xf32>,
    %get3A_953 = arith.constant 336 : index
    %get3A_954 = tpu.vector_load %arg15[%get3A_953] {strides = array<i32>} : memref<512xf32, #tpu.memory_space<vmem>>, vector<16xf32>,
    %get3A_955 = vector.shape_cast %get3A_954 : vector<16xf32> to vector<16xf32>
    %get3A_956 = arith.constant 336 : index
    %get3A_957 = tpu.vector_load %arg16[%get3A_956] {strides = array<i32>} : memref<512xf32, #tpu.memory_space<vmem>>, vector<16xf32>,
    %get3A_958 = vector.shape_cast %get3A_957 : vector<16xf32> to vector<16xf32>
    %add3A_959 = arith.addf %get3A_955, %get3A_958 : vector<16xf32>
    %swap3A_960 = arith.constant 336 : index
    %swap3A_961 = tpu.vector_load %arg17[%swap3A_960] {strides = array<i32>} : memref<512xf32, #tpu.memory_space<vmem>>, vector<16xf32>,
    %swap3A_962 = vector.shape_cast %swap3A_961 : vector<16xf32> to vector<16xf32>
    %swap3A_963 = vector.shape_cast %add3A_959 : vector<16xf32> to vector<16xf32>
    tpu.vector_store %arg17[%swap3A_960], %swap3A_963 {strides = array<i32>} : memref<512xf32, #tpu.memory_space<vmem>>, vector<16xf32>,
    %get3A_964 = arith.constant 352 : index
    %get3A_965 = tpu.vector_load %arg15[%get3A_964] {strides = array<i32>} : memref<512xf32, #tpu.memory_space<vmem>>, vector<16xf32>,
    %get3A_966 = vector.shape_cast %get3A_965 : vector<16xf32> to vector<16xf32>
    %get3A_967 = arith.constant 352 : index
    %get3A_968 = tpu.vector_load %arg16[%get3A_967] {strides = array<i32>} : memref<512xf32, #tpu.memory_space<vmem>>, vector<16xf32>,
    %get3A_969 = vector.shape_cast %get3A_968 : vector<16xf32> to vector<16xf32>
    %add3A_970 = arith.addf %get3A_966, %get3A_969 : vector<16xf32>
    %swap3A_971 = arith.constant 352 : index
    %swap3A_972 = tpu.vector_load %arg17[%swap3A_971] {strides = array<i32>} : memref<512xf32, #tpu.memory_space<vmem>>, vector<16xf32>,
    %swap3A_973 = vector.shape_cast %swap3A_972 : vector<16xf32> to vector<16xf32>
    %swap3A_974 = vector.shape_cast %add3A_970 : vector<16xf32> to vector<16xf32>
    tpu.vector_store %arg17[%swap3A_971], %swap3A_974 {strides = array<i32>} : memref<512xf32, #tpu.memory_space<vmem>>, vector<16xf32>,
    %get3A_975 = arith.constant 368 : index
    %get3A_976 = tpu.vector_load %arg15[%get3A_975] {strides = array<i32>} : memref<512xf32, #tpu.memory_space<vmem>>, vector<16xf32>,
    %get3A_977 = vector.shape_cast %get3A_976 : vector<16xf32> to vector<16xf32>
    %get3A_978 = arith.constant 368 : index
    %get3A_979 = tpu.vector_load %arg16[%get3A_978] {strides = array<i32>} : memref<512xf32, #tpu.memory_space<vmem>>, vector<16xf32>,
    %get3A_980 = vector.shape_cast %get3A_979 : vector<16xf32> to vector<16xf32>
    %add3A_981 = arith.addf %get3A_977, %get3A_980 : vector<16xf32>
    %swap3A_982 = arith.constant 368 : index
    %swap3A_983 = tpu.vector_load %arg17[%swap3A_982] {strides = array<i32>} : memref<512xf32, #tpu.memory_space<vmem>>, vector<16xf32>,
    %swap3A_984 = vector.shape_cast %swap3A_983 : vector<16xf32> to vector<16xf32>
    %swap3A_985 = vector.shape_cast %add3A_981 : vector<16xf32> to vector<16xf32>
    tpu.vector_store %arg17[%swap3A_982], %swap3A_985 {strides = array<i32>} : memref<512xf32, #tpu.memory_space<vmem>>, vector<16xf32>,
    %get3A_986 = arith.constant 384 : index
    %get3A_987 = tpu.vector_load %arg15[%get3A_986] {strides = array<i32>} : memref<512xf32, #tpu.memory_space<vmem>>, vector<16xf32>,
    %get3A_988 = vector.shape_cast %get3A_987 : vector<16xf32> to vector<16xf32>
    %get3A_989 = arith.constant 384 : index
    %get3A_990 = tpu.vector_load %arg16[%get3A_989] {strides = array<i32>} : memref<512xf32, #tpu.memory_space<vmem>>, vector<16xf32>,
    %get3A_991 = vector.shape_cast %get3A_990 : vector<16xf32> to vector<16xf32>
    %add3A_992 = arith.addf %get3A_988, %get3A_991 : vector<16xf32>
    %swap3A_993 = arith.constant 384 : index
    %swap3A_994 = tpu.vector_load %arg17[%swap3A_993] {strides = array<i32>} : memref<512xf32, #tpu.memory_space<vmem>>, vector<16xf32>,
    %swap3A_995 = vector.shape_cast %swap3A_994 : vector<16xf32> to vector<16xf32>
    %swap3A_996 = vector.shape_cast %add3A_992 : vector<16xf32> to vector<16xf32>
    tpu.vector_store %arg17[%swap3A_993], %swap3A_996 {strides = array<i32>} : memref<512xf32, #tpu.memory_space<vmem>>, vector<16xf32>,
    %get3A_997 = arith.constant 400 : index
    %get3A_998 = tpu.vector_load %arg15[%get3A_997] {strides = array<i32>} : memref<512xf32, #tpu.memory_space<vmem>>, vector<16xf32>,
    %get3A_999 = vector.shape_cast %get3A_998 : vector<16xf32> to vector<16xf32>
    %get3A_1000 = arith.constant 400 : index
    %get3A_1001 = tpu.vector_load %arg16[%get3A_1000] {strides = array<i32>} : memref<512xf32, #tpu.memory_space<vmem>>, vector<16xf32>,
    %get3A_1002 = vector.shape_cast %get3A_1001 : vector<16xf32> to vector<16xf32>
    %add3A_1003 = arith.addf %get3A_999, %get3A_1002 : vector<16xf32>
    %swap3A_1004 = arith.constant 400 : index
    %swap3A_1005 = tpu.vector_load %arg17[%swap3A_1004] {strides = array<i32>} : memref<512xf32, #tpu.memory_space<vmem>>, vector<16xf32>,
    %swap3A_1006 = vector.shape_cast %swap3A_1005 : vector<16xf32> to vector<16xf32>
    %swap3A_1007 = vector.shape_cast %add3A_1003 : vector<16xf32> to vector<16xf32>
    tpu.vector_store %arg17[%swap3A_1004], %swap3A_1007 {strides = array<i32>} : memref<512xf32, #tpu.memory_space<vmem>>, vector<16xf32>,
    %get3A_1008 = arith.constant 416 : index
    %get3A_1009 = tpu.vector_load %arg15[%get3A_1008] {strides = array<i32>} : memref<512xf32, #tpu.memory_space<vmem>>, vector<16xf32>,
    %get3A_1010 = vector.shape_cast %get3A_1009 : vector<16xf32> to vector<16xf32>
    %get3A_1011 = arith.constant 416 : index
    %get3A_1012 = tpu.vector_load %arg16[%get3A_1011] {strides = array<i32>} : memref<512xf32, #tpu.memory_space<vmem>>, vector<16xf32>,
    %get3A_1013 = vector.shape_cast %get3A_1012 : vector<16xf32> to vector<16xf32>
    %add3A_1014 = arith.addf %get3A_1010, %get3A_1013 : vector<16xf32>
    %swap3A_1015 = arith.constant 416 : index
    %swap3A_1016 = tpu.vector_load %arg17[%swap3A_1015] {strides = array<i32>} : memref<512xf32, #tpu.memory_space<vmem>>, vector<16xf32>,
    %swap3A_1017 = vector.shape_cast %swap3A_1016 : vector<16xf32> to vector<16xf32>
    %swap3A_1018 = vector.shape_cast %add3A_1014 : vector<16xf32> to vector<16xf32>
    tpu.vector_store %arg17[%swap3A_1015], %swap3A_1018 {strides = array<i32>} : memref<512xf32, #tpu.memory_space<vmem>>, vector<16xf32>,
    %get3A_1019 = arith.constant 432 : index
    %get3A_1020 = tpu.vector_load %arg15[%get3A_1019] {strides = array<i32>} : memref<512xf32, #tpu.memory_space<vmem>>, vector<16xf32>,
    %get3A_1021 = vector.shape_cast %get3A_1020 : vector<16xf32> to vector<16xf32>
    %get3A_1022 = arith.constant 432 : index
    %get3A_1023 = tpu.vector_load %arg16[%get3A_1022] {strides = array<i32>} : memref<512xf32, #tpu.memory_space<vmem>>, vector<16xf32>,
    %get3A_1024 = vector.shape_cast %get3A_1023 : vector<16xf32> to vector<16xf32>
    %add3A_1025 = arith.addf %get3A_1021, %get3A_1024 : vector<16xf32>
    %swap3A_1026 = arith.constant 432 : index
    %swap3A_1027 = tpu.vector_load %arg17[%swap3A_1026] {strides = array<i32>} : memref<512xf32, #tpu.memory_space<vmem>>, vector<16xf32>,
    %swap3A_1028 = vector.shape_cast %swap3A_1027 : vector<16xf32> to vector<16xf32>
    %swap3A_1029 = vector.shape_cast %add3A_1025 : vector<16xf32> to vector<16xf32>
    tpu.vector_store %arg17[%swap3A_1026], %swap3A_1029 {strides = array<i32>} : memref<512xf32, #tpu.memory_space<vmem>>, vector<16xf32>,
    %get3A_1030 = arith.constant 448 : index
    %get3A_1031 = tpu.vector_load %arg15[%get3A_1030] {strides = array<i32>} : memref<512xf32, #tpu.memory_space<vmem>>, vector<16xf32>,
    %get3A_1032 = vector.shape_cast %get3A_1031 : vector<16xf32> to vector<16xf32>
    %get3A_1033 = arith.constant 448 : index
    %get3A_1034 = tpu.vector_load %arg16[%get3A_1033] {strides = array<i32>} : memref<512xf32, #tpu.memory_space<vmem>>, vector<16xf32>,
    %get3A_1035 = vector.shape_cast %get3A_1034 : vector<16xf32> to vector<16xf32>
    %add3A_1036 = arith.addf %get3A_1032, %get3A_1035 : vector<16xf32>
    %swap3A_1037 = arith.constant 448 : index
    %swap3A_1038 = tpu.vector_load %arg17[%swap3A_1037] {strides = array<i32>} : memref<512xf32, #tpu.memory_space<vmem>>, vector<16xf32>,
    %swap3A_1039 = vector.shape_cast %swap3A_1038 : vector<16xf32> to vector<16xf32>
    %swap3A_1040 = vector.shape_cast %add3A_1036 : vector<16xf32> to vector<16xf32>
    tpu.vector_store %arg17[%swap3A_1037], %swap3A_1040 {strides = array<i32>} : memref<512xf32, #tpu.memory_space<vmem>>, vector<16xf32>,
    %get3A_1041 = arith.constant 464 : index
    %get3A_1042 = tpu.vector_load %arg15[%get3A_1041] {strides = array<i32>} : memref<512xf32, #tpu.memory_space<vmem>>, vector<16xf32>,
    %get3A_1043 = vector.shape_cast %get3A_1042 : vector<16xf32> to vector<16xf32>
    %get3A_1044 = arith.constant 464 : index
    %get3A_1045 = tpu.vector_load %arg16[%get3A_1044] {strides = array<i32>} : memref<512xf32, #tpu.memory_space<vmem>>, vector<16xf32>,
    %get3A_1046 = vector.shape_cast %get3A_1045 : vector<16xf32> to vector<16xf32>
    %add3A_1047 = arith.addf %get3A_1043, %get3A_1046 : vector<16xf32>
    %swap3A_1048 = arith.constant 464 : index
    %swap3A_1049 = tpu.vector_load %arg17[%swap3A_1048] {strides = array<i32>} : memref<512xf32, #tpu.memory_space<vmem>>, vector<16xf32>,
    %swap3A_1050 = vector.shape_cast %swap3A_1049 : vector<16xf32> to vector<16xf32>
    %swap3A_1051 = vector.shape_cast %add3A_1047 : vector<16xf32> to vector<16xf32>
    tpu.vector_store %arg17[%swap3A_1048], %swap3A_1051 {strides = array<i32>} : memref<512xf32, #tpu.memory_space<vmem>>, vector<16xf32>,
    %get3A_1052 = arith.constant 480 : index
    %get3A_1053 = tpu.vector_load %arg15[%get3A_1052] {strides = array<i32>} : memref<512xf32, #tpu.memory_space<vmem>>, vector<16xf32>,
    %get3A_1054 = vector.shape_cast %get3A_1053 : vector<16xf32> to vector<16xf32>
    %get3A_1055 = arith.constant 480 : index
    %get3A_1056 = tpu.vector_load %arg16[%get3A_1055] {strides = array<i32>} : memref<512xf32, #tpu.memory_space<vmem>>, vector<16xf32>,
    %get3A_1057 = vector.shape_cast %get3A_1056 : vector<16xf32> to vector<16xf32>
    %add3A_1058 = arith.addf %get3A_1054, %get3A_1057 : vector<16xf32>
    %swap3A_1059 = arith.constant 480 : index
    %swap3A_1060 = tpu.vector_load %arg17[%swap3A_1059] {strides = array<i32>} : memref<512xf32, #tpu.memory_space<vmem>>, vector<16xf32>,
    %swap3A_1061 = vector.shape_cast %swap3A_1060 : vector<16xf32> to vector<16xf32>
    %swap3A_1062 = vector.shape_cast %add3A_1058 : vector<16xf32> to vector<16xf32>
    tpu.vector_store %arg17[%swap3A_1059], %swap3A_1062 {strides = array<i32>} : memref<512xf32, #tpu.memory_space<vmem>>, vector<16xf32>,
    %get3A_1063 = arith.constant 496 : index
    %get3A_1064 = tpu.vector_load %arg15[%get3A_1063] {strides = array<i32>} : memref<512xf32, #tpu.memory_space<vmem>>, vector<16xf32>,
    %get3A_1065 = vector.shape_cast %get3A_1064 : vector<16xf32> to vector<16xf32>
    %get3A_1066 = arith.constant 496 : index
    %get3A_1067 = tpu.vector_load %arg16[%get3A_1066] {strides = array<i32>} : memref<512xf32, #tpu.memory_space<vmem>>, vector<16xf32>,
    %get3A_1068 = vector.shape_cast %get3A_1067 : vector<16xf32> to vector<16xf32>
    %add3A_1069 = arith.addf %get3A_1065, %get3A_1068 : vector<16xf32>
    %swap3A_1070 = arith.constant 496 : index
    %swap3A_1071 = tpu.vector_load %arg17[%swap3A_1070] {strides = array<i32>} : memref<512xf32, #tpu.memory_space<vmem>>, vector<16xf32>,
    %swap3A_1072 = vector.shape_cast %swap3A_1071 : vector<16xf32> to vector<16xf32>
    %swap3A_1073 = vector.shape_cast %add3A_1069 : vector<16xf32> to vector<16xf32>
    tpu.vector_store %arg17[%swap3A_1070], %swap3A_1073 {strides = array<i32>} : memref<512xf32, #tpu.memory_space<vmem>>, vector<16xf32>,
    "tpu.region"() ({
      %run_scoped3A = tpu.sem_alloc : memref<!tpu.dma_semaphore, #tpu.memory_space<semaphore_mem>>
      %dma_start3A_1074 = tpu.memref_slice %arg7[%mul3A_2] : memref<16384xf32, #tpu.memory_space<hbm>> -> memref<512xf32, #tpu.memory_space<hbm>>
      %dma_start3A_1075 = tpu.memref_slice %arg7[%mul3A_2] : memref<16384xf32, #tpu.memory_space<hbm>> -> memref<512xf32, #tpu.memory_space<hbm>>
      tpu.enqueue_dma source(%arg17 : memref<512xf32, #tpu.memory_space<vmem>>) target(%dma_start3A_1075 : memref<512xf32, #tpu.memory_space<hbm>>) target_semaphore(%run_scoped3A : memref<!tpu.dma_semaphore, #tpu.memory_space<semaphore_mem>>)
      %dma_wait3A_1076 = tpu.memref_slice %arg7[%mul3A_2] : memref<16384xf32, #tpu.memory_space<hbm>> -> memref<512xf32, #tpu.memory_space<hbm>>
      %dma_wait3A_1077 = tpu.memref_slice %arg7[%mul3A_2] : memref<16384xf32, #tpu.memory_space<hbm>> -> memref<512xf32, #tpu.memory_space<hbm>>
      tpu.wait_dma2 semaphore(%run_scoped3A : memref<!tpu.dma_semaphore, #tpu.memory_space<semaphore_mem>>) src(%arg17 : memref<512xf32, #tpu.memory_space<vmem>>) dst(%dma_wait3A_1077 : memref<512xf32, #tpu.memory_space<hbm>>)
      tpu.yield
    }) : () -> ()
    return
  }
}

module attributes {stable_mosaic.version = 14 : i64} {
  func.func @_pack_body(%arg0: i32, %arg1: memref<64x16384xf32, #tpu.memory_space<vmem>>, %arg2: memref<64x16384xf32, #tpu.memory_space<vmem>>, %arg3: memref<16384x128xf32, #tpu.memory_space<vmem>>) attributes {dimension_semantics = [#tpu.dimension_semantics<arbitrary>], iteration_bounds = array<i64: 7>, scalar_prefetch = 0 : i64, scratch_operands = 0 : i64, tpu.core_type = #tpu.core_type<tc>, window_params = [{transform_indices = @transform_0, window_bounds = array<i64: 64, 16384>}, {transform_indices = @transform_1, window_bounds = array<i64: 64, 16384>}, {transform_indices = @transform_2, window_bounds = array<i64: 16384, 128>}]} {
    %get3A = arith.constant 0 : index
    %get3A_0 = arith.constant 0 : index
    %get3A_1 = vector.load %arg1[%get3A, %get3A_0] : memref<64x16384xf32, #tpu.memory_space<vmem>>, vector<64x16384xf32>
    %get3A_2 = arith.constant 0 : index
    %get3A_3 = arith.constant 0 : index
    %get3A_4 = vector.load %arg2[%get3A_2, %get3A_3] : memref<64x16384xf32, #tpu.memory_space<vmem>>, vector<64x16384xf32>
    %concatenate3A = tpu.concatenate %get3A_1, %get3A_4 in 0 : vector<64x16384xf32>, vector<64x16384xf32> -> vector<128x16384xf32>
    %convert_element_type3A = arith.truncf %concatenate3A : vector<128x16384xf32> to vector<128x16384xbf16>
    %convert_element_type3A_5 = arith.extf %convert_element_type3A : vector<128x16384xbf16> to vector<128x16384xf32>
    %sub3A = arith.subf %concatenate3A, %convert_element_type3A_5 : vector<128x16384xf32>
    %convert_element_type3A_6 = arith.truncf %sub3A : vector<128x16384xf32> to vector<128x16384xbf16>
    %concatenate3A_7 = tpu.concatenate %convert_element_type3A, %convert_element_type3A_6 in 0 : vector<128x16384xbf16>, vector<128x16384xbf16> -> vector<256x16384xbf16>
    %iota3A = tpu.iota {dimensions = array<i32: 0>} : vector<256x128xi32>
    %iota3A_8 = tpu.iota {dimensions = array<i32: 1>} : vector<256x128xi32>
    %eq3A = arith.cmpi eq, %iota3A, %iota3A_8 : vector<256x128xi32>
    %add3A = arith.constant 128 : i32
    %add3A_9 = vector.broadcast %add3A : i32 to vector<256x128xi32>
    %add3A_10 = arith.addi %iota3A_8, %add3A_9 : vector<256x128xi32>
    %eq3A_11 = arith.cmpi eq, %iota3A, %add3A_10 : vector<256x128xi32>
    %or3A = arith.ori %eq3A, %eq3A_11 : vector<256x128xi1>
    %convert_element_type3A_12 = arith.extui %or3A : vector<256x128xi1> to vector<256x128xi32>
    %convert_element_type3A_13 = arith.sitofp %convert_element_type3A_12 : vector<256x128xi32> to vector<256x128xf32>
    %convert_element_type3A_14 = arith.truncf %convert_element_type3A_13 : vector<256x128xf32> to vector<256x128xbf16>
    %dot_general3A = arith.constant dense<0.000000e+00> : vector<16384x128xf32>
    %dot_general3A_15 = tpu.matmul %concatenate3A_7, %convert_element_type3A_14, %dot_general3A {dimension_numbers = #tpu.dot_dimension_numbers<[0], [0], [1], [1], [0, 1, 1, 1], [], []>, transpose_lhs_hint = false} : vector<256x16384xbf16>, vector<256x128xbf16>, vector<16384x128xf32> -> vector<16384x128xf32>
    %swap3A = arith.constant 0 : index
    %swap3A_16 = arith.constant 0 : index
    %swap3A_17 = vector.load %arg3[%swap3A, %swap3A_16] : memref<16384x128xf32, #tpu.memory_space<vmem>>, vector<16384x128xf32>
    tpu.vector_store %arg3[%swap3A, %swap3A_16], %dot_general3A_15 {strides = array<i32>} : memref<16384x128xf32, #tpu.memory_space<vmem>>, vector<16384x128xf32>,
    return
  }
  func.func @transform_0(%arg0: i32) -> (i32, i32) {
    %c0_i32 = arith.constant 0 : i32
    %c0_i32_0 = arith.constant 0 : i32
    return %c0_i32, %arg0 : i32, i32
  }
  func.func @transform_1(%arg0: i32) -> (i32, i32) {
    %c0_i32 = arith.constant 0 : i32
    %c0_i32_0 = arith.constant 0 : i32
    return %c0_i32, %arg0 : i32, i32
  }
  func.func @transform_2(%arg0: i32) -> (i32, i32) {
    %c0_i32 = arith.constant 0 : i32
    %c0_i32_0 = arith.constant 0 : i32
    return %arg0, %c0_i32 : i32, i32
  }
}

module attributes {stable_mosaic.version = 14 : i64} {
  func.func @_tc_body(%arg0: memref<32x16xf32, #tpu.memory_space<vmem>>, %arg1: memref<128x128xf32, #tpu.memory_space<vmem>>, %arg2: memref<128x128xf32, #tpu.memory_space<vmem>>) attributes {dimension_semantics = [], scalar_prefetch = 0 : i64, scratch_operands = 0 : i64, tpu.core_type = #tpu.core_type<tc>} {
    %get3A = arith.constant 0 : index
    %get3A_0 = arith.constant 0 : index
    %get3A_1 = vector.load %arg0[%get3A, %get3A_0] : memref<32x16xf32, #tpu.memory_space<vmem>>, vector<32x16xf32>
    %reduce_sum3A = vector.shape_cast %get3A_1 : vector<32x16xf32> to vector<1x32x16xf32>
    %reduce_sum3A_2 = arith.constant dense<0.000000e+00> : vector<1xf32>
    %reduce_sum3A_3 = vector.multi_reduction <add>, %reduce_sum3A, %reduce_sum3A_2 [1, 2] : vector<1x32x16xf32> to vector<1xf32>
    %reduce_sum3A_4 = vector.shape_cast %reduce_sum3A_3 : vector<1xf32> to vector<1x1x1xf32>
    %reduce_sum3A_5 = vector.extract %reduce_sum3A_4[0, 0, 0] : f32 from vector<1x1x1xf32>
    %get3A_6 = arith.constant 0 : index
    %get3A_7 = arith.constant 0 : index
    %get3A_8 = vector.load %arg1[%get3A_6, %get3A_7] : memref<128x128xf32, #tpu.memory_space<vmem>>, vector<128x128xf32>
    %add3A = vector.broadcast %reduce_sum3A_5 : f32 to vector<128x128xf32>
    %add3A_9 = arith.addf %get3A_8, %add3A : vector<128x128xf32>
    %logistic3A = arith.negf %add3A_9 : vector<128x128xf32>
    %logistic3A_10 = math.exp %logistic3A : vector<128x128xf32>
    %logistic3A_11 = arith.constant 1.000000e+00 : f32
    %logistic3A_12 = vector.broadcast %logistic3A_11 : f32 to vector<128x128xf32>
    %logistic3A_13 = arith.addf %logistic3A_12, %logistic3A_10 : vector<128x128xf32>
    %logistic3A_14 = arith.divf %logistic3A_12, %logistic3A_13 : vector<128x128xf32>
    %swap3A = arith.constant 0 : index
    %swap3A_15 = arith.constant 0 : index
    %swap3A_16 = vector.load %arg2[%swap3A, %swap3A_15] : memref<128x128xf32, #tpu.memory_space<vmem>>, vector<128x128xf32>
    tpu.vector_store %arg2[%swap3A, %swap3A_15], %logistic3A_14 {strides = array<i32>} : memref<128x128xf32, #tpu.memory_space<vmem>>, vector<128x128xf32>,
    return
  }
}

</mosaic_0001>

<sc_bundles>
// kernel: kernel.5.cloned.1.call-start
scs
__scs_entry_jumppad:
0x0: {  	(pc) =	sbr.rel $0x88, $3  }
0x1: {  	(tag) =	ssettag $0x0;
	lr =	simm.s32 $0x1  }
0x2: {  	[smem:$0x3F9C] =	sst lr;
	_ =	strace $0xD0000000  }
0x3: {  	_ = 	snop  }
0x4: {  	_ = 	snop  }
0x5: {  	_ = 	snop  }
0x6: {  	_ = 	snop  }
0x7: {  	_ = 	snop  }
__scs_overlays_trampoline_lowered:
0x8: {  	[smem:$0x3FAB] =	sst s0  }
0x9: {  	[smem:$0x3FAC] =	sst s1  }
0xa: {  	[smem:$0x3FAD] =	sst s2  }
0xb: {  	[smem:$0x3FAE] =	sst s3  }
0xc: {  	[smem:$0x3FAF] =	sst s4  }
0xd: {  	[smem:$0x3FB0] =	sst s5  }
0xe: {  	[smem:$0x3FB1] =	sst s6  }
0xf: {  	[smem:$0x3FB2] =	sst s7  }
0x10: {  	[smem:$0x3FB3] =	sst s8  }
0x11: {  	[smem:$0x3FB4] =	sst s9;
	s0 =	simm.s32 @!p0 $0x0  }
0x12: {  	s1 =	sld [smem:$0x3F9A];
	s0 =	simm.s32 @p0 $0x1  }
0x13: {  	[smem:$0x3FB5] =	sst s0;
	s0 =	simm.s32 @!p1 $0x0  }
0x14: {  	s2 =	sld [smem:$0x3F99];
	s0 =	simm.s32 @p1 $0x1  }
0x15: {  	[smem:$0x3FB6] =	sst s0;
	s0 =	simm.s32 @!p2 $0x0  }
0x16: {  	s3 =	sld [smem:$0x3FDB];
	s0 =	simm.s32 @p2 $0x1  }
0x17: {  	s4 =	simm.s32 $0x1BF5;
	[smem:$0x3FB8] =	sst s0  }
0x18: {  	s0 =	sld [smem:$0x3F9B];
	_ =	swait.ge [sflag:s4], $0x0  }
0x19: {  	s7 =	sld [smem:$0x3F9C]  }
0x1a: {  	s8 =	sadd.s32 $0xFFFFE003, lr  }
0x1b: {  	s9 =	sadd.s32 $0xFFFFFEF7, lr;
	s5 =	simm.s32 $0xFFFFFFFF;
	p2 =	slt.u32 s8, $0xFFFFF086  }
0x1c: {  	p1 =	slt.u32 s9, $0xF7A;
	s5 =	simm.s32 @!p2 $0x0  }
0x1d: {  	s5 =	simm.s32 @p1 $0x1;
	p0 =	seq.s32 s7, s2  }
0x1e: {  	s7 =	smul.u32 @!p0 $0xF7A, s2;
	p2 =	seq.s32 @!p0 s5, $0x0  }
0x1f: {  	s9 =	smul.u32 $0xF7A, s1;
	s8 =	simm.s32 @!p0 $0x1BF5;
	p2 =	por !p2, p0  }
0x20: {  	[sflag:s8] =	ssyncset.s32 @!p0 $0xFFFFF086;
	s6 =	sadd.s32 @!p0 s3, s7;
	s7 =	simm.s32 @!p0 $0x108  }
0x21: {  	s3 =	sadd.s32 s3, s9;
	s6 =	sadd.s32 @!p0 $0x88, s6;
	s7 =	simm.s32 @p2 $0x1082  }
0x22: {  	[simem:s7], [sflag:s8] =	dma.local @!p0 [hbm:s6], $0xF7A  }
0x23: {  	s9 =	sor.u32 $0xD0000000, s2;
	s6 =	simm.s32 $0x108;
	_ =	swait.ge @!p0 [sflag:s8], $0x0  }
0x24: {  	s3 =	sadd.s32 $0x88, s3;
	s6 =	simm.s32 @!p1 $0x1082;
	[sflag:s4] =	ssyncset.s32 $0xFFFFF086  }
0x25: {  	[simem:s6], [sflag:s4] =	dma.local [hbm:s3], $0xF7A  }
0x26: {  	[smem:$0x3F9C] =	sst s1;
	(tag) =	ssettag s2;
	_ =	strace s9  }
0x27: {  	s1 =	sld [smem:$0x3FAC]  }
0x28: {  	s2 =	sld [smem:$0x3FAD]  }
0x29: {  	s4 =	sld [smem:$0x3FAF]  }
0x2a: {  	p0 =	seq.s32 s5, $0x0;
	s5 =	sld [smem:$0x3FB0]  }
0x2b: {  	s6 =	sld [smem:$0x3FB1]  }
0x2c: {  	s7 =	sld [smem:$0x3FB2]  }
0x2d: {  	s3 =	simm.s32 $0x108;
	s8 =	sld [smem:$0x3FB3]  }
0x2e: {  	s3 =	simm.s32 @!p0 $0x1082;
	s9 =	sld [smem:$0x3FB4]  }
0x2f: {  	lr =	sadd.s32 s0, s3;
	s0 =	sld [smem:$0x3FAB]  }
0x30: {  	s3 =	sld [smem:$0x3FAE]  }
0x31: {  	[smem:$0x3FB7] =	sst s10  }
0x32: {  	s10 =	sld [smem:$0x3FB5];
	_ =	sdelay $0x3  }
0x33: {  	p0 =	seq.s32 s10, $0x1;
	s10 =	sld [smem:$0x3FB7];
	_ =	sdelay $0x3  }
0x34: {  	[smem:$0x3FB7] =	sst s10  }
0x35: {  	s10 =	sld [smem:$0x3FB6];
	_ =	sdelay $0x3  }
0x36: {  	p1 =	seq.s32 s10, $0x1;
	s10 =	sld [smem:$0x3FB7];
	_ =	sdelay $0x3  }
0x37: {  	[smem:$0x3FB7] =	sst s10  }
0x38: {  	s10 =	sld [smem:$0x3FB8]  }
0x39: {  	_ = 	snop;
	(pc) =	sbr.ind lr, $3  }
0x3a: {  	_ = 	snop  }
0x3b: {  	_ = 	snop  }
0x3c: {  	p2 =	seq.s32 s10, $0x1;
	s10 =	sld [smem:$0x3FB7]  }
0x3d: {  	_ =	shalt  }
0x3e: {  	_ =	shalt  }
0x3f: {  	_ =	shalt  }
0x40: {  	_ =	shalt  }
0x41: {  	_ =	shalt  }
0x42: {  	_ =	shalt  }
0x43: {  	_ =	shalt  }
0x44: {  	_ =	shalt  }
0x45: {  	_ =	shalt  }
0x46: {  	_ =	shalt  }
0x47: {  	_ =	shalt  }
0x48: {  	_ =	shalt  }
0x49: {  	_ =	shalt  }
0x4a: {  	_ =	shalt  }
0x4b: {  	_ =	shalt  }
0x4c: {  	_ =	shalt  }
0x4d: {  	_ =	shalt  }
0x4e: {  	_ =	shalt  }
0x4f: {  	_ =	shalt  }
0x50: {  	_ =	shalt  }
0x51: {  	_ =	shalt  }
0x52: {  	_ =	shalt  }
0x53: {  	_ =	shalt  }
0x54: {  	_ =	shalt  }
0x55: {  	_ =	shalt  }
0x56: {  	_ =	shalt  }
0x57: {  	_ =	shalt  }
0x58: {  	_ =	shalt  }
0x59: {  	_ =	shalt  }
0x5a: {  	_ =	shalt  }
0x5b: {  	_ =	shalt  }
0x5c: {  	_ =	shalt  }
0x5d: {  	_ =	shalt  }
0x5e: {  	_ =	shalt  }
0x5f: {  	_ =	shalt  }
0x60: {  	_ =	shalt  }
0x61: {  	_ =	shalt  }
0x62: {  	_ =	shalt  }
0x63: {  	_ =	shalt  }
0x64: {  	_ =	shalt  }
0x65: {  	_ =	shalt  }
0x66: {  	_ =	shalt  }
0x67: {  	_ =	shalt  }
0x68: {  	_ =	shalt  }
0x69: {  	_ =	shalt  }
0x6a: {  	_ =	shalt  }
0x6b: {  	_ =	shalt  }
0x6c: {  	_ =	shalt  }
0x6d: {  	_ =	shalt  }
0x6e: {  	_ =	shalt  }
0x6f: {  	_ =	shalt  }
0x70: {  	_ =	shalt  }
0x71: {  	_ =	shalt  }
0x72: {  	_ =	shalt  }
0x73: {  	_ =	shalt  }
0x74: {  	_ =	shalt  }
0x75: {  	_ =	shalt  }
0x76: {  	_ =	shalt  }
0x77: {  	_ =	shalt  }
0x78: {  	_ =	shalt  }
0x79: {  	_ =	shalt  }
0x7a: {  	_ =	shalt  }
0x7b: {  	_ =	shalt  }
0x7c: {  	_ =	shalt  }
0x7d: {  	_ =	shalt  }
0x7e: {  	_ =	shalt  }
0x7f: {  	_ =	shalt  }
0x80: {  	_ =	shalt  }
0x81: {  	_ =	shalt  }
0x82: {  	_ =	shalt  }
0x83: {  	_ =	shalt  }
0x84: {  	_ =	shalt  }
0x85: {  	_ =	shalt  }
0x86: {  	_ =	shalt  }
0x87: {  	_ =	shalt  }
.Lfunc_end0:
.L_simem_size_0:
called_computation_lowered:
.L_overlay_start_0:
0x88: {  	s2 =	sld [smem:$0x3FD9]  }
0x89: {  	s3 =	sld [smem:$0x3FFE];
	_ =	sdelay $0x1  }
0x8a: {  	s1 =	srdreg.scid  }
0x8b: {  	s0 =	sand.u32 $0x1, s1  }
0x8c: {  	s17 =	sshll.u32 s0, $0xA;
	s2 =	sadd.s32 s3, s2  }
0x8d: {  	s2 =	sadd.s32 s2, s17  }
0x8e: {  	[smem:$0x3FC3] =	sst s2  }
0x8f: {  	_ = 	snop  }
0x90: {  	s2 =	sld [smem:$0x3FD0];
	(tm) =	ssettm $0x1  }
0x91: {  	s18 =	sld [smem:$0x3FFB];
	_ =	sdelay $0x3  }
0x92: {  	_ =	strace s18  }
0x93: {  	s3 =	sld [smem:$0x3FFC];
	_ =	sdelay $0x3  }
0x94: {  	_ =	strace s3  }
0x95: {  	s3 =	sld [smem:$0x3FFD];
	_ =	sdelay $0x3  }
0x96: {  	_ =	strace s3  }
0x97: {  	_ =	strace $0x8FFFFFFF  }
0x98: {  	s19 =	sld [smem:$0x3FDB];
	_ =	sdelay $0x1  }
0x99: {  	s4 =	simm.s32 $_scs_section_size  }
0x9a: {  	s5 =	simm.s32 $_size__tile_overlayer_lowered;
	s6 =	simm.s32 $_tile_overlayer_lowered  }
0x9b: {  	s22 =	simm.s32 $0x1BFF;
	s21 =	sshll.u32 s6, $0x1;
	s3 =	sadd.s32 s4, s19  }
0x9c: {  	s7 =	simm.s32 $0x0;
	s20 =	sshll.u32 s5, $0x1;
	s5 =	sadd.s32 s21, s3  }
0x9d: {  	[timem:s7], [sflag:s22] =	dma.local [hbm:s5], s20  }
0x9e: {  	_ =	swait.ge [sflag:s22], s20  }
0x9f: {  	s4 =	ssub.s32 $0x0, s20;
	[sflag:s22] =	ssyncset.done $0x0  }
0xa0: {  	[sflag:s22] =	ssyncadd.s32 s4;
	_ =	sdelay $0x1  }
0xa1: {  	s23 =	simm.s32 $0x1B8B  }
0xa2: {  	_ =	swait.ge [sflag:s23], $0x1  }
0xa3: {  	[sflag:s23] =	ssyncset.done $0x0  }
0xa4: {  	s25 =	simm.s32 $0x1B8E;
	s24 =	sld [smem:$0x3FFE];
	[sflag:s23] =	ssyncadd.s32 $0xFFFFFFFF  }
0xa5: {  	s26 =	simm.s32 $execute0_lowered;
	[smem:$0x3FD2] =	sst s25  }
0xa6: {  	s5 =	sshll.u32 s26, $0x1;
	_ =	strace $0x80000046;
	[dreg:$0x1] =	wrdreg $0xFFFFFFFF  }
0xa7: {  	s28 =	simm.s32 $_size_execute0_lowered;
	s3 =	sadd.s32 s3, s5;
	[dreg:$0x0] =	wrdreg $0x0  }
0xa8: {  	s5 =	sshll.u32 s28, $0x1;
	[dreg:$0x2] =	wrdreg s3  }
0xa9: {  	[dreg:$0x3] =	wrdreg s5  }
0xaa: {  	[dreg:$0x4] =	wrdreg $0xC0  }
0xab: {  	_ =	task [dreg:s7], $0x5FFFF  }
0xac: {  	[dreg:$0x1] =	wrdreg $0xFFFFFFFF  }
0xad: {  	[dreg:$0x0] =	wrdreg $0x60  }
0xae: {  	[dreg:$0x2] =	wrdreg s24  }
0xaf: {  	[dreg:$0x3] =	wrdreg s2  }
0xb0: {  	[dreg:$0x4] =	wrdreg $0x9  }
0xb1: {  	_ =	task.clear_ibuf [dreg:s7], $0x5FFFF;
	_ =	strace $0x90000046  }
0xb2: {  	s29 =	simm.s32 $0x9;
	_ =	strace $0x80000048  }
0xb3: {  	_ =	swait.ge [sflag:s29], $0x1  }
0xb4: {  	[sflag:s29] =	ssyncadd.s32 $0xFFFFFFFF  }
0xb5: {  	_ =	strace $0x90000048  }
0xb6: {  	_ =	sfence  }
0xb7: {  	s30 =	sld [smem:$0x0];
	_ =	sdelay $0x2  }
0xb8: {  	s31 =	sshll.u32 s1, $0xD;
	s1 =	sshrl.u32 s1, $0x2  }
0xb9: {  	s3 =	sand.u32 $0x4000, s31;
	s1 =	sadd.s32 s1, s30  }
0xba: {  	s0 =	sor.u32 s3, s0;
	s1 =	sshll.u32 s1, $0x11  }
0xbb: {  	s0 =	sor.u32 s1, s0  }
0xbc: {  	s0 =	sadd.s32 $0x8F2B, s0  }
0xbd: {  	[sflag:s0] =	ssyncadd.remote.s32 $0x1  }
0xbe: {  	_ =	sfence.sel $0xFFFF  }
0xbf: {  	[dreg:$0x0] =	wrdreg $0xFFFFFFFF;
	(pc) =	sbr.abs _section_cstart, $3  }
0xc0: {  	[dreg:$0x1] =	wrdreg $0xFFFFFFFF  }
0xc1: {  	_ =	task.clear_ibuf [dreg:s7], $0x2FFFF;
	_ =	strace $0x9FFFFFFF  }
0xc2: {  	(tm) =	ssettm $0x7FFFFFFF  }
0xc3: {  	_ =	shalt  }
tec
execute0_lowered:
.L_overlay_start_1:
0x0: {  	(tag) =	ssettag $0x1  }
0x1: {  	s0 =	rddreg [dreg:$0x0]  }
0x2: {  	s1 =	rddreg [dreg:$0x1];
	s2 =	simm.s32 $0x0  }
0x3: {  	s3 =	srdreg.scid;
	s4 =	stileid.u32;
	s10 =	simm.s32 $0x4  }
0x4: {  	s11 =	simm.s32 $0x200;
	s12 =	simm.s32 $0x80;
	s19 =	simm.s32 $0x100  }
0x5: {  	s23 =	simm.s32 $0x180;
	s24 =	simm.s32 $0x10780;
	s25 =	simm.s32 $0x580  }
0x6: {  	s26 =	simm.s32 $0x10980;
	s28 =	simm.s32 $0x600;
	s29 =	simm.s32 $0x4600  }
0x7: {  	s30 =	simm.s32 $0x8600;
	s31 =	simm.s32 $0x280;
	s13 =	simm.s32 $0x300  }
0x8: {  	s14 =	simm.s32 $0x2;
	s15 =	simm.s32 $0x380;
	s16 =	simm.s32 $0x10C00  }
0x9: {  	s17 =	simm.s32 $0x3;
	s18 =	simm.s32 $0x10A00;
	s20 =	simm.s32 $0x0  }
0xa: {  	[smem:$0x7FF] =	sst s2;
	s5 =	sand.u32 $0x1, s3;
	s6 =	sshll.u32 s4, $0x1  }
0xb: {  	s3 =	sadd.s32 $0x6C00, s0;
	s4 =	sadd.s32 $0xA00, s0;
	s6 =	sor.u32 s5, s6  }
0xc: {  	_ =	strace $0x80000047;
	s5 =	ssub.s32 $0x2, s5;
	s7 =	sshll.u32 s6, $0x1  }
0xd: {  	s6 =	sshll.u32 s6, $0x6;
	s8 =	sshrl.u32 s5, $0x1;
	s7 =	sadd.s32 s7, s0  }
0xe: {  	s0 =	sadd.s32 s6, s0;
	s9 =	ssub.s32 s5, s8;
	s6 =	sadd.s32 s1, s6  }
0xf: {  	s1 =	simm.s32 $0x1;
	s5 =	sadd.s32 $0x200, s0;
	s7 =	sadd.s32 $0x18D600, s7  }
0x10: {  	s8 =	sadd.s32 $0x18D800, s0;
	s9 =	smax.u32 s9, $0x1;
	s0 =	simm.s32 $0xC600  }
.LBB2_1:
0x11: {  	[tilespmem:s2], [sflag:$0x4] =	stream.linear.gather [hbm4b:s5+s2], $0x200, $0x38;
	[tilespmem:$0x10C10] =	vst v63  }
0x12: {  	_ =	swait.ge [sflag:s10], $0x200  }
0x13: {  	[sflag:s10] =	ssyncset.done $0x0  }
0x14: {  	[sflag:s10] =	ssyncadd.s32 $0xFFFFFE00  }
0x15: {  	[tilespmem:s11], [sflag:$0x4] =	stream.linear.gather [hbm4b:s6+s2], $0x200, $0x38;
	[tilespmem:$0x10C10] =	vst v63  }
0x16: {  	_ =	swait.ge [sflag:s10], $0x200  }
0x17: {  	[sflag:s10] =	ssyncset.done $0x0  }
0x18: {  	[sflag:s10] =	ssyncadd.s32 $0xFFFFFE00  }
0x19: {  	v0 =	vld [tilespmem:$0x200]  }
0x1a: {  	v1 =	vld [tilespmem:$0x210]  }
0x1b: {  	v2 =	vld [tilespmem:$0x220]  }
0x1c: {  	v3 =	vld [tilespmem:$0x230]  }
0x1d: {  	v4 =	vld [tilespmem:$0x240]  }
0x1e: {  	v5 =	vld [tilespmem:$0x250];
	v0 =	vadd.s32 $0x186A0, v0  }
0x1f: {  	[tilespmem:$0x400] =	vst v0;
	v0 =	vadd.s32 $0x186A0, v1;
	v1 =	vld [tilespmem:$0x260]  }
0x20: {  	[tilespmem:$0x410] =	vst v0;
	v0 =	vadd.s32 $0x186A0, v2;
	v2 =	vld [tilespmem:$0x270]  }
0x21: {  	[tilespmem:$0x420] =	vst v0;
	v0 =	vadd.s32 $0x186A0, v3;
	v3 =	vld [tilespmem:$0x280]  }
0x22: {  	[tilespmem:$0x430] =	vst v0;
	v0 =	vadd.s32 $0x186A0, v4;
	v4 =	vld [tilespmem:$0x290]  }
0x23: {  	[tilespmem:$0x440] =	vst v0;
	v0 =	vadd.s32 $0x186A0, v5;
	v5 =	vld [tilespmem:$0x2A0]  }
0x24: {  	[tilespmem:$0x450] =	vst v0;
	v0 =	vadd.s32 $0x186A0, v1;
	v1 =	vld [tilespmem:$0x2B0]  }
0x25: {  	[tilespmem:$0x460] =	vst v0;
	v0 =	vadd.s32 $0x186A0, v2;
	v2 =	vld [tilespmem:$0x2C0]  }
0x26: {  	[tilespmem:$0x470] =	vst v0;
	v0 =	vadd.s32 $0x186A0, v3;
	v3 =	vld [tilespmem:$0x2D0]  }
0x27: {  	[tilespmem:$0x480] =	vst v0;
	v0 =	vadd.s32 $0x186A0, v4;
	v4 =	vld [tilespmem:$0x2E0]  }
0x28: {  	[tilespmem:$0x490] =	vst v0;
	v0 =	vadd.s32 $0x186A0, v5;
	v5 =	vld [tilespmem:$0x2F0]  }
0x29: {  	[tilespmem:$0x4A0] =	vst v0;
	v0 =	vadd.s32 $0x186A0, v1;
	v1 =	vld [tilespmem:$0x300]  }
0x2a: {  	[tilespmem:$0x4B0] =	vst v0;
	v0 =	vadd.s32 $0x186A0, v2;
	v2 =	vld [tilespmem:$0x310]  }
0x2b: {  	[tilespmem:$0x4C0] =	vst v0;
	v0 =	vadd.s32 $0x186A0, v3;
	v3 =	vld [tilespmem:$0x320]  }
0x2c: {  	[tilespmem:$0x4D0] =	vst v0;
	v0 =	vadd.s32 $0x186A0, v4;
	v4 =	vld [tilespmem:$0x330]  }
0x2d: {  	[tilespmem:$0x4E0] =	vst v0;
	v0 =	vadd.s32 $0x186A0, v5;
	v5 =	vld [tilespmem:$0x340]  }
0x2e: {  	[tilespmem:$0x4F0] =	vst v0;
	v0 =	vadd.s32 $0x186A0, v1;
	v1 =	vld [tilespmem:$0x350]  }
0x2f: {  	[tilespmem:$0x500] =	vst v0;
	v0 =	vadd.s32 $0x186A0, v2;
	v2 =	vld [tilespmem:$0x360]  }
0x30: {  	[tilespmem:$0x510] =	vst v0;
	v0 =	vadd.s32 $0x186A0, v3;
	v3 =	vld [tilespmem:$0x370]  }
0x31: {  	[tilespmem:$0x520] =	vst v0;
	v0 =	vadd.s32 $0x186A0, v4;
	v4 =	vld [tilespmem:$0x380]  }
0x32: {  	[tilespmem:$0x530] =	vst v0;
	v0 =	vadd.s32 $0x186A0, v5;
	v5 =	vld [tilespmem:$0x390]  }
0x33: {  	[tilespmem:$0x540] =	vst v0;
	v0 =	vadd.s32 $0x186A0, v1;
	v1 =	vld [tilespmem:$0x3A0]  }
0x34: {  	[tilespmem:$0x550] =	vst v0;
	v0 =	vadd.s32 $0x186A0, v2;
	v2 =	vld [tilespmem:$0x3B0]  }
0x35: {  	[tilespmem:$0x560] =	vst v0;
	v0 =	vadd.s32 $0x186A0, v3;
	v3 =	vld [tilespmem:$0x3C0]  }
0x36: {  	[tilespmem:$0x570] =	vst v0;
	v0 =	vadd.s32 $0x186A0, v4;
	v4 =	vld [tilespmem:$0x3D0]  }
0x37: {  	[tilespmem:$0x580] =	vst v0;
	v0 =	vadd.s32 $0x186A0, v5;
	v5 =	vld [tilespmem:$0x3E0]  }
0x38: {  	[tilespmem:$0x590] =	vst v0;
	v0 =	vadd.s32 $0x186A0, v1;
	v1 =	vld [tilespmem:$0x3F0]  }
0x39: {  	[tilespmem:$0x5A0] =	vst v0;
	v0 =	vadd.s32 $0x186A0, v2  }
0x3a: {  	[tilespmem:$0x5B0] =	vst v0;
	v0 =	vadd.s32 $0x186A0, v3  }
0x3b: {  	[tilespmem:$0x5C0] =	vst v0;
	v0 =	vadd.s32 $0x186A0, v4  }
0x3c: {  	[tilespmem:$0x5D0] =	vst v0;
	v0 =	vadd.s32 $0x186A0, v5  }
0x3d: {  	[tilespmem:$0x5E0] =	vst v0;
	v0 =	vadd.s32 $0x186A0, v1  }
0x3e: {  	s21 =	simm.s32 $0x10600;
	[tilespmem:$0x5F0] =	vst v0  }
0x3f: {  	[tilespmem:s21], [sflag:$0x3] =	stream.indirect.gather [hbm4b:s4+s12], $0x1, s2, s12, $0xb8;
	[tilespmem:$0x10C10] =	vst v63  }
0x40: {  	s22 =	simm.s32 $0x10800;
	s21 =	simm.s32 $0x400  }
0x41: {  	[tilespmem:s22], [sflag:$0x3] =	stream.indirect.gather [hbm4b:s4+s12], $0x1, s21, s12, $0xb8;
	[tilespmem:$0x10C10] =	vst v63  }
0x42: {  	s22 =	simm.s32 $0x10680  }
0x43: {  	[tilespmem:s22], [sflag:$0x3] =	stream.indirect.gather [hbm4b:s4+s12], $0x1, s12, s12, $0xb8;
	[tilespmem:$0x10C10] =	vst v63  }
0x44: {  	s21 =	simm.s32 $0x480;
	s22 =	simm.s32 $0x10880  }
0x45: {  	[tilespmem:s22], [sflag:$0x3] =	stream.indirect.gather [hbm4b:s4+s12], $0x1, s21, s12, $0xb8;
	[tilespmem:$0x10C10] =	vst v63  }
0x46: {  	s22 =	simm.s32 $0x10700  }
0x47: {  	[tilespmem:s22], [sflag:$0x3] =	stream.indirect.gather [hbm4b:s4+s12], $0x1, s19, s12, $0xb8;
	[tilespmem:$0x10C10] =	vst v63  }
0x48: {  	s21 =	simm.s32 $0x500;
	s22 =	simm.s32 $0x10900  }
0x49: {  	[tilespmem:s22], [sflag:$0x3] =	stream.indirect.gather [hbm4b:s4+s12], $0x1, s21, s12, $0xb8;
	[tilespmem:$0x10C10] =	vst v63  }
0x4a: {  	_ = 	snop  }
0x4b: {  	[tilespmem:s24], [sflag:$0x3] =	stream.indirect.gather [hbm4b:s4+s12], $0x1, s23, s12, $0xb8;
	[tilespmem:$0x10C10] =	vst v63  }
0x4c: {  	_ = 	snop  }
0x4d: {  	[tilespmem:s26], [sflag:$0x3] =	stream.indirect.gather [hbm4b:s4+s12], $0x1, s25, s12, $0xb8;
	[tilespmem:$0x10C10] =	vst v63  }
0x4e: {  	_ = 	snop  }
0x4f: {  	[tilespmem:s28], [sflag:$0x1] =	stream.indirect.gather [hbm4b:s3+s12], $0x80, s2, s12, $0xb8;
	[tilespmem:$0x10C10] =	vst v63  }
0x50: {  	_ = 	snop  }
0x51: {  	[tilespmem:s29], [sflag:$0x1] =	stream.indirect.gather [hbm4b:s3+s12], $0x80, s11, s12, $0xb8;
	[tilespmem:$0x10C10] =	vst v63  }
0x52: {  	_ = 	snop  }
0x53: {  	[tilespmem:s30], [sflag:$0x2] =	stream.indirect.gather [hbm4b:s3+s12], $0x80, s12, s12, $0xb8;
	[tilespmem:$0x10C10] =	vst v63  }
0x54: {  	_ = 	snop  }
0x55: {  	[tilespmem:s0], [sflag:$0x2] =	stream.indirect.gather [hbm4b:s3+s12], $0x80, s31, s12, $0xb8;
	[tilespmem:$0x10C10] =	vst v63  }
0x56: {  	_ =	swait.ge [sflag:s1], $0x4000  }
0x57: {  	[sflag:s1] =	ssyncset.done $0x0  }
0x58: {  	[sflag:s1] =	ssyncadd.s32 $0xFFFFC000  }
0x59: {  	_ =	swait.ge [sflag:s1], $0x4000  }
0x5a: {  	[sflag:s1] =	ssyncset.done $0x0  }
0x5b: {  	s22 =	simm.s32 $0x0;
	[sflag:s1] =	ssyncadd.s32 $0xFFFFC000  }
0x5c: {  	v0 =	vld [tilespmem:s22+$0x630]  }
0x5d: {  	v1 =	vld [tilespmem:s22+$0x4670]  }
0x5e: {  	v4 =	vld [tilespmem:s22+$0x600]  }
0x5f: {  	v5 =	vld [tilespmem:s22+$0x4640];
	_ =	sdelay $0x1  }
0x60: {  	v2 =	vld [tilespmem:s22+$0x610]  }
0x61: {  	v7 =	vld [tilespmem:s22+$0x4650]  }
0x62: {  	v3 =	vld [tilespmem:s22+$0x620];
	v0 =	vmul.f32 v1, v0  }
0x63: {  	s21 =	simm.s32 $0x80;
	v8 =	vld [tilespmem:s22+$0x4660];
	v1 =	vimm.f32 $0.0e+00;
	v9 =	vmul.f32 v5, v4  }
0x64: {  	v6 =	vld [tilespmem:s21+$0x630];
	s22 =	simm.s32 $0x400;
	v5 =	vimm.f32 $0.0e+00;
	v4 =	vimm.f32 $0.0e+00;
	v0 =	vadd.f32 v0, v1  }
.LBB2_2:
0x65: {  	p0 =	sne.s32 s22, $0xFE00;
	v10 =	vld [tilespmem:s21+$0x4670]  }
0x66: {  	v11 =	vld [tilespmem:s21+$0x600];
	v1 =	vadd.f32 v9, v1;
	v7 =	vmul.f32 v7, v2  }
0x67: {  	v9 =	vld [tilespmem:s21+$0x4640]  }
.Ltmp0:
0x68: {  	v2 =	vld [tilespmem:s21+$0x610];
	v5 =	vadd.f32 v7, v5;
	v8 =	vmul.f32 v8, v3;
	(pc) =	sbr.rel @p0 .LBB2_2-.Ltmp0, $4  }
0x69: {  	v7 =	vld [tilespmem:s21+$0x4650]  }
0x6a: {  	v3 =	vld [tilespmem:s21+$0x620];
	v10 =	vmul.f32 v10, v6;
	v4 =	vadd.f32 v8, v4  }
0x6b: {  	v8 =	vld [tilespmem:s21+$0x4660];
	s21 =	sshra.s32 s22, $0x2  }
0x6c: {  	s22 =	sadd.s32 $0x200, s22;
	v6 =	vld [tilespmem:s21+$0x630];
	v9 =	vmul.f32 v9, v11;
	v0 =	vadd.f32 v10, v0  }
0x6d: {  	v10 =	vld [tilespmem:s21+$0x4670]  }
0x6e: {  	v11 =	vld [tilespmem:s21+$0x600]  }
0x6f: {  	v12 =	vld [tilespmem:s21+$0x4640]  }
0x70: {  	v13 =	vld [tilespmem:s21+$0x610]  }
0x71: {  	v14 =	vld [tilespmem:s21+$0x4650]  }
0x72: {  	v15 =	vld [tilespmem:s21+$0x620]  }
0x73: {  	v16 =	vld [tilespmem:s21+$0x4660];
	[tilespmem:s28], [sflag:$0x1] =	stream.indirect.gather [hbm4b:s3+s12], $0x80, s19, s12, $0xb8  }
0x74: {  	_ = 	snop  }
0x75: {  	[tilespmem:s29], [sflag:$0x1] =	stream.indirect.gather [hbm4b:s3+s12], $0x80, s13, s12, $0xb8;
	[tilespmem:$0x10C10] =	vst v63  }
0x76: {  	_ =	swait.ge [sflag:s14], $0x4000  }
0x77: {  	[sflag:s14] =	ssyncset.done $0x0  }
0x78: {  	[sflag:s14] =	ssyncadd.s32 $0xFFFFC000  }
0x79: {  	_ =	swait.ge [sflag:s14], $0x4000  }
0x7a: {  	[sflag:s14] =	ssyncset.done $0x0  }
0x7b: {  	s22 =	simm.s32 $0x0;
	[sflag:s14] =	ssyncadd.s32 $0xFFFFC000  }
0x7c: {  	v17 =	vld [tilespmem:s22+$0x8630]  }
0x7d: {  	v18 =	vld [tilespmem:s22+$0xC670]  }
0x7e: {  	v2 =	vmul.f32 v7, v2;
	v19 =	vld [tilespmem:s22+$0x8600]  }
0x7f: {  	v3 =	vmul.f32 v8, v3;
	v20 =	vld [tilespmem:s22+$0xC640]  }
0x80: {  	v7 =	vadd.f32 v9, v1;
	v2 =	vadd.f32 v2, v5;
	v5 =	vmul.f32 v10, v6;
	v1 =	vld [tilespmem:s22+$0x8610]  }
0x81: {  	v3 =	vadd.f32 v3, v4;
	v4 =	vmul.f32 v12, v11;
	v8 =	vmul.f32 v14, v13;
	v6 =	vld [tilespmem:s22+$0xC650]  }
0x82: {  	v9 =	vmul.f32 v16, v15;
	v10 =	vadd.f32 v5, v0;
	v5 =	vld [tilespmem:s22+$0x8620];
	v11 =	vmul.f32 v18, v17  }
0x83: {  	s21 =	simm.s32 $0x80;
	v0 =	vadd.f32 v4, v7;
	v2 =	vadd.f32 v8, v2;
	v8 =	vld [tilespmem:s22+$0xC660]  }
0x84: {  	v3 =	vadd.f32 v9, v3;
	v7 =	vld [tilespmem:s21+$0x8630];
	s22 =	simm.s32 $0x400;
	v9 =	vmul.f32 v20, v19;
	v4 =	vadd.f32 v11, v10  }
.LBB2_4:
0x85: {  	p0 =	sne.s32 s22, $0xFE00;
	v10 =	vld [tilespmem:s21+$0xC670]  }
0x86: {  	v11 =	vld [tilespmem:s21+$0x8600];
	v0 =	vadd.f32 v9, v0;
	v6 =	vmul.f32 v6, v1  }
0x87: {  	v9 =	vld [tilespmem:s21+$0xC640]  }
.Ltmp1:
0x88: {  	v1 =	vld [tilespmem:s21+$0x8610];
	v2 =	vadd.f32 v6, v2;
	v8 =	vmul.f32 v8, v5;
	(pc) =	sbr.rel @p0 .LBB2_4-.Ltmp1, $4  }
0x89: {  	v6 =	vld [tilespmem:s21+$0xC650]  }
0x8a: {  	v5 =	vld [tilespmem:s21+$0x8620];
	v10 =	vmul.f32 v10, v7;
	v3 =	vadd.f32 v8, v3  }
0x8b: {  	v8 =	vld [tilespmem:s21+$0xC660];
	s21 =	sshra.s32 s22, $0x2  }
0x8c: {  	s22 =	sadd.s32 $0x200, s22;
	v7 =	vld [tilespmem:s21+$0x8630];
	v9 =	vmul.f32 v9, v11;
	v4 =	vadd.f32 v10, v4  }
0x8d: {  	v10 =	vld [tilespmem:s21+$0xC670]  }
0x8e: {  	v11 =	vld [tilespmem:s21+$0x8600]  }
0x8f: {  	v12 =	vld [tilespmem:s21+$0xC640]  }
0x90: {  	v13 =	vld [tilespmem:s21+$0x8610]  }
0x91: {  	v14 =	vld [tilespmem:s21+$0xC650]  }
0x92: {  	v15 =	vld [tilespmem:s21+$0x8620]  }
0x93: {  	v16 =	vld [tilespmem:s21+$0xC660];
	[tilespmem:s30], [sflag:$0x2] =	stream.indirect.gather [hbm4b:s3+s12], $0x80, s23, s12, $0xb8  }
0x94: {  	_ = 	snop  }
0x95: {  	[tilespmem:s0], [sflag:$0x2] =	stream.indirect.gather [hbm4b:s3+s12], $0x80, s15, s12, $0xb8;
	[tilespmem:$0x10C10] =	vst v63  }
0x96: {  	_ =	swait.ge [sflag:s1], $0x4000  }
0x97: {  	[sflag:s1] =	ssyncset.done $0x0  }
0x98: {  	[sflag:s1] =	ssyncadd.s32 $0xFFFFC000  }
0x99: {  	_ =	swait.ge [sflag:s1], $0x4000  }
0x9a: {  	[sflag:s1] =	ssyncset.done $0x0  }
0x9b: {  	s22 =	simm.s32 $0x0;
	[sflag:s1] =	ssyncadd.s32 $0xFFFFC000  }
0x9c: {  	v17 =	vld [tilespmem:s22+$0x630]  }
0x9d: {  	v18 =	vld [tilespmem:s22+$0x4670]  }
0x9e: {  	v1 =	vmul.f32 v6, v1;
	v19 =	vld [tilespmem:s22+$0x600]  }
0x9f: {  	v5 =	vmul.f32 v8, v5;
	v20 =	vld [tilespmem:s22+$0x4640]  }
0xa0: {  	v8 =	vadd.f32 v9, v0;
	v2 =	vadd.f32 v1, v2;
	v1 =	vmul.f32 v10, v7;
	v0 =	vld [tilespmem:s22+$0x610]  }
0xa1: {  	v3 =	vadd.f32 v5, v3;
	v7 =	vmul.f32 v12, v11;
	v9 =	vmul.f32 v14, v13;
	v6 =	vld [tilespmem:s22+$0x4650]  }
0xa2: {  	v10 =	vmul.f32 v16, v15;
	v4 =	vadd.f32 v1, v4;
	v5 =	vld [tilespmem:s22+$0x620];
	v11 =	vmul.f32 v18, v17  }
0xa3: {  	s21 =	simm.s32 $0x80;
	v1 =	vadd.f32 v7, v8;
	v2 =	vadd.f32 v9, v2;
	v8 =	vld [tilespmem:s22+$0x4660]  }
0xa4: {  	v3 =	vadd.f32 v10, v3;
	v7 =	vld [tilespmem:s21+$0x630];
	s22 =	simm.s32 $0x400;
	v9 =	vmul.f32 v20, v19;
	v4 =	vadd.f32 v11, v4  }
.LBB2_6:
0xa5: {  	p0 =	sne.s32 s22, $0xFE00;
	v10 =	vld [tilespmem:s21+$0x4670]  }
0xa6: {  	v11 =	vld [tilespmem:s21+$0x600];
	v1 =	vadd.f32 v9, v1;
	v6 =	vmul.f32 v6, v0  }
0xa7: {  	v9 =	vld [tilespmem:s21+$0x4640]  }
.Ltmp2:
0xa8: {  	v0 =	vld [tilespmem:s21+$0x610];
	v2 =	vadd.f32 v6, v2;
	v8 =	vmul.f32 v8, v5;
	(pc) =	sbr.rel @p0 .LBB2_6-.Ltmp2, $4  }
0xa9: {  	v6 =	vld [tilespmem:s21+$0x4650]  }
0xaa: {  	v5 =	vld [tilespmem:s21+$0x620];
	v10 =	vmul.f32 v10, v7;
	v3 =	vadd.f32 v8, v3  }
0xab: {  	v8 =	vld [tilespmem:s21+$0x4660];
	s21 =	sshra.s32 s22, $0x2  }
0xac: {  	s22 =	sadd.s32 $0x200, s22;
	v7 =	vld [tilespmem:s21+$0x630];
	v9 =	vmul.f32 v9, v11;
	v4 =	vadd.f32 v10, v4  }
0xad: {  	v10 =	vld [tilespmem:s21+$0x4670]  }
0xae: {  	v11 =	vld [tilespmem:s21+$0x600]  }
0xaf: {  	v12 =	vld [tilespmem:s21+$0x4640]  }
0xb0: {  	v13 =	vld [tilespmem:s21+$0x610]  }
0xb1: {  	v14 =	vld [tilespmem:s21+$0x4650]  }
0xb2: {  	v15 =	vld [tilespmem:s21+$0x620]  }
0xb3: {  	v16 =	vld [tilespmem:s21+$0x4660];
	_ =	swait.ge [sflag:s14], $0x4000  }
0xb4: {  	[sflag:s14] =	ssyncset.done $0x0  }
0xb5: {  	[sflag:s14] =	ssyncadd.s32 $0xFFFFC000  }
0xb6: {  	_ =	swait.ge [sflag:s14], $0x4000  }
0xb7: {  	[sflag:s14] =	ssyncset.done $0x0  }
0xb8: {  	s22 =	simm.s32 $0x0;
	[sflag:s14] =	ssyncadd.s32 $0xFFFFC000  }
0xb9: {  	v17 =	vld [tilespmem:s22+$0x8630]  }
0xba: {  	v18 =	vld [tilespmem:s22+$0xC670]  }
0xbb: {  	v0 =	vmul.f32 v6, v0;
	v19 =	vld [tilespmem:s22+$0x8600]  }
0xbc: {  	v5 =	vmul.f32 v8, v5;
	v20 =	vld [tilespmem:s22+$0xC640]  }
0xbd: {  	v1 =	vadd.f32 v9, v1;
	v2 =	vadd.f32 v0, v2;
	v7 =	vmul.f32 v10, v7;
	v0 =	vld [tilespmem:s22+$0x8610]  }
0xbe: {  	v9 =	vadd.f32 v5, v3;
	v3 =	vmul.f32 v12, v11;
	v8 =	vmul.f32 v14, v13;
	v6 =	vld [tilespmem:s22+$0xC650]  }
0xbf: {  	v5 =	vld [tilespmem:s22+$0x8620];
	v4 =	vadd.f32 v7, v4;
	v7 =	vmul.f32 v16, v15;
	v10 =	vmul.f32 v18, v17  }
0xc0: {  	s21 =	simm.s32 $0x80;
	v3 =	vadd.f32 v3, v1;
	v1 =	vadd.f32 v8, v2;
	v8 =	vld [tilespmem:s22+$0xC660]  }
0xc1: {  	s22 =	simm.s32 $0x400;
	v2 =	vadd.f32 v7, v9;
	v7 =	vld [tilespmem:s21+$0x8630];
	v9 =	vmul.f32 v20, v19;
	v4 =	vadd.f32 v10, v4  }
.LBB2_8:
0xc2: {  	p0 =	sne.s32 s22, $0xFE00;
	v10 =	vld [tilespmem:s21+$0xC670]  }
0xc3: {  	v11 =	vld [tilespmem:s21+$0x8600];
	v3 =	vadd.f32 v9, v3;
	v6 =	vmul.f32 v6, v0  }
0xc4: {  	v9 =	vld [tilespmem:s21+$0xC640]  }
.Ltmp3:
0xc5: {  	v0 =	vld [tilespmem:s21+$0x8610];
	v1 =	vadd.f32 v6, v1;
	v8 =	vmul.f32 v8, v5;
	(pc) =	sbr.rel @p0 .LBB2_8-.Ltmp3, $4  }
0xc6: {  	v6 =	vld [tilespmem:s21+$0xC650]  }
0xc7: {  	v5 =	vld [tilespmem:s21+$0x8620];
	v10 =	vmul.f32 v10, v7;
	v2 =	vadd.f32 v8, v2  }
0xc8: {  	v8 =	vld [tilespmem:s21+$0xC660];
	s21 =	sshra.s32 s22, $0x2  }
0xc9: {  	s22 =	sadd.s32 $0x200, s22;
	v7 =	vld [tilespmem:s21+$0x8630];
	v9 =	vmul.f32 v9, v11;
	v4 =	vadd.f32 v10, v4  }
0xca: {  	v10 =	vld [tilespmem:s21+$0xC670]  }
0xcb: {  	v11 =	vld [tilespmem:s21+$0x8600]  }
0xcc: {  	v12 =	vld [tilespmem:s21+$0xC640]  }
0xcd: {  	v13 =	vld [tilespmem:s21+$0x8610]  }
0xce: {  	v14 =	vld [tilespmem:s21+$0xC650]  }
0xcf: {  	v15 =	vld [tilespmem:s21+$0x8620]  }
0xd0: {  	v16 =	vld [tilespmem:s21+$0xC660];
	_ =	sdelay $0x1  }
0xd1: {  	v0 =	vmul.f32 v6, v0  }
0xd2: {  	v3 =	vadd.f32 v9, v3;
	v5 =	vmul.f32 v8, v5  }
0xd3: {  	v0 =	vadd.f32 v0, v1;
	v49 =	vmul.f32 v10, v7;
	v50 =	vmul.f32 v12, v11  }
0xd4: {  	v2 =	vadd.f32 v5, v2;
	v51 =	vmul.f32 v14, v13;
	v52 =	vmul.f32 v16, v15  }
0xd5: {  	v1 =	vadd.f32 v49, v4;
	v3 =	vadd.f32 v50, v3  }
0xd6: {  	v0 =	vadd.f32 v51, v0;
	v2 =	vadd.f32 v52, v2;
	_ =	sdelay $0x1  }
0xd7: {  	v0 =	vadd.f32 v0, v3;
	v1 =	vadd.f32 v1, v2;
	_ =	sdelay $0x1  }
0xd8: {  	v0 =	vadd.f32 v1, v0;
	_ =	sdelay $0x1  }
0xd9: {  	[tilespmem:$0x10C00] =	vst v0  }
0xda: {  	[hbm4b:s7+s2] =	stream.linear.scatter [tilespmem:s16], [sflag:$0x4], $0x10, $0x38;
	[tilespmem:$0x10C10] =	vst v63  }
0xdb: {  	_ =	swait.ge [sflag:s10], $0x10  }
0xdc: {  	[sflag:s10] =	ssyncset.done $0x0  }
0xdd: {  	[sflag:s10] =	ssyncadd.s32 $0xFFFFFFF0  }
0xde: {  	_ =	swait.ge [sflag:s17], $0x80  }
0xdf: {  	[sflag:s17] =	ssyncset.done $0x0  }
0xe0: {  	[sflag:s17] =	ssyncadd.s32 $0xFFFFFF80  }
0xe1: {  	_ =	swait.ge [sflag:s17], $0x80  }
0xe2: {  	[sflag:s17] =	ssyncset.done $0x0  }
0xe3: {  	[sflag:s17] =	ssyncadd.s32 $0xFFFFFF80  }
0xe4: {  	_ =	swait.ge [sflag:s17], $0x80  }
0xe5: {  	[sflag:s17] =	ssyncset.done $0x0  }
0xe6: {  	[sflag:s17] =	ssyncadd.s32 $0xFFFFFF80  }
0xe7: {  	_ =	swait.ge [sflag:s17], $0x80  }
0xe8: {  	[sflag:s17] =	ssyncset.done $0x0  }
0xe9: {  	[sflag:s17] =	ssyncadd.s32 $0xFFFFFF80  }
0xea: {  	_ =	swait.ge [sflag:s17], $0x80  }
0xeb: {  	[sflag:s17] =	ssyncset.done $0x0  }
0xec: {  	[sflag:s17] =	ssyncadd.s32 $0xFFFFFF80  }
0xed: {  	_ =	swait.ge [sflag:s17], $0x80  }
0xee: {  	[sflag:s17] =	ssyncset.done $0x0  }
0xef: {  	[sflag:s17] =	ssyncadd.s32 $0xFFFFFF80  }
0xf0: {  	_ =	swait.ge [sflag:s17], $0x80  }
0xf1: {  	[sflag:s17] =	ssyncset.done $0x0  }
0xf2: {  	[sflag:s17] =	ssyncadd.s32 $0xFFFFFF80  }
0xf3: {  	_ =	swait.ge [sflag:s17], $0x80  }
0xf4: {  	[sflag:s17] =	ssyncset.done $0x0  }
0xf5: {  	[sflag:s17] =	ssyncadd.s32 $0xFFFFFF80  }
0xf6: {  	v53 =	vld [tilespmem:$0x10600]  }
0xf7: {  	v54 =	vld [tilespmem:$0x10800]  }
0xf8: {  	v55 =	vld [tilespmem:$0x10610]  }
0xf9: {  	v56 =	vld [tilespmem:$0x10810]  }
0xfa: {  	v57 =	vld [tilespmem:$0x10620]  }
0xfb: {  	v58 =	vld [tilespmem:$0x10820]  }
0xfc: {  	v59 =	vld [tilespmem:$0x10630]  }
0xfd: {  	v60 =	vld [tilespmem:$0x10830]  }
0xfe: {  	v61 =	vld [tilespmem:$0x10640]  }
0xff: {  	v62 =	vld [tilespmem:$0x10840]  }
0x100: {  	v63 =	vld [tilespmem:$0x10650]  }
0x101: {  	v40 =	vld [tilespmem:$0x10850]  }
0x102: {  	v41 =	vld [tilespmem:$0x10660]  }
0x103: {  	v42 =	vld [tilespmem:$0x10860]  }
0x104: {  	v43 =	vld [tilespmem:$0x10670]  }
0x105: {  	v44 =	vld [tilespmem:$0x10870]  }
0x106: {  	v45 =	vld [tilespmem:$0x10680]  }
0x107: {  	v17 =	vld [tilespmem:$0x10880]  }
0x108: {  	v18 =	vld [tilespmem:$0x10690]  }
0x109: {  	v19 =	vld [tilespmem:$0x10890]  }
0x10a: {  	v20 =	vld [tilespmem:$0x106A0]  }
0x10b: {  	v21 =	vld [tilespmem:$0x108A0]  }
0x10c: {  	v22 =	vld [tilespmem:$0x106B0]  }
0x10d: {  	v23 =	vld [tilespmem:$0x108B0]  }
0x10e: {  	v24 =	vld [tilespmem:$0x106C0]  }
0x10f: {  	v25 =	vld [tilespmem:$0x108C0]  }
0x110: {  	v26 =	vld [tilespmem:$0x106D0]  }
0x111: {  	v27 =	vld [tilespmem:$0x108D0]  }
0x112: {  	v28 =	vld [tilespmem:$0x106E0]  }
0x113: {  	v29 =	vld [tilespmem:$0x108E0]  }
0x114: {  	v30 =	vld [tilespmem:$0x106F0]  }
0x115: {  	v31 =	vld [tilespmem:$0x108F0]  }
0x116: {  	v32 =	vld [tilespmem:$0x10700]  }
0x117: {  	v33 =	vld [tilespmem:$0x10900]  }
0x118: {  	v34 =	vld [tilespmem:$0x10710]  }
0x119: {  	v35 =	vld [tilespmem:$0x10910]  }
0x11a: {  	v36 =	vld [tilespmem:$0x10720]  }
0x11b: {  	v46 =	vld [tilespmem:$0x10920];
	v0 =	vadd.f32 v54, v53  }
0x11c: {  	v47 =	vld [tilespmem:$0x10730];
	v2 =	vadd.f32 v56, v55  }
0x11d: {  	v49 =	vld [tilespmem:$0x10930];
	v48 =	vadd.f32 v58, v57;
	[tilespmem:$0x10A00] =	vst v0  }
0x11e: {  	v51 =	vld [tilespmem:$0x10740];
	v50 =	vadd.f32 v60, v59;
	[tilespmem:$0x10A10] =	vst v2  }
0x11f: {  	v37 =	vld [tilespmem:$0x107A0];
	v52 =	vadd.f32 v62, v61;
	[tilespmem:$0x10A20] =	vst v48  }
0x120: {  	v39 =	vld [tilespmem:$0x109A0];
	v54 =	vadd.f32 v40, v63;
	[tilespmem:$0x10A30] =	vst v50  }
0x121: {  	v53 =	vld [tilespmem:$0x10940];
	v56 =	vadd.f32 v42, v41;
	[tilespmem:$0x10A40] =	vst v52  }
0x122: {  	v55 =	vld [tilespmem:$0x10750];
	v58 =	vadd.f32 v44, v43;
	[tilespmem:$0x10A50] =	vst v54  }
0x123: {  	v57 =	vld [tilespmem:$0x10950];
	v60 =	vadd.f32 v17, v45;
	[tilespmem:$0x10A60] =	vst v56  }
0x124: {  	v59 =	vld [tilespmem:$0x10760];
	v62 =	vadd.f32 v19, v18;
	[tilespmem:$0x10A70] =	vst v58  }
0x125: {  	v61 =	vld [tilespmem:$0x10960];
	v20 =	vadd.f32 v21, v20;
	[tilespmem:$0x10A80] =	vst v60  }
0x126: {  	v63 =	vld [tilespmem:$0x10770];
	v22 =	vadd.f32 v23, v22;
	[tilespmem:$0x10A90] =	vst v62  }
0x127: {  	v21 =	vld [tilespmem:$0x10970];
	v24 =	vadd.f32 v25, v24;
	[tilespmem:$0x10AA0] =	vst v20  }
0x128: {  	v23 =	vld [tilespmem:$0x10780];
	v26 =	vadd.f32 v27, v26;
	[tilespmem:$0x10AB0] =	vst v22  }
0x129: {  	v25 =	vld [tilespmem:$0x10980];
	v28 =	vadd.f32 v29, v28;
	[tilespmem:$0x10AC0] =	vst v24  }
0x12a: {  	v27 =	vld [tilespmem:$0x10790];
	v31 =	vadd.f32 v31, v30;
	[tilespmem:$0x10AD0] =	vst v26  }
0x12b: {  	v29 =	vld [tilespmem:$0x10990];
	v38 =	vadd.f32 v33, v32;
	[tilespmem:$0x10AE0] =	vst v28  }
0x12c: {  	v40 =	vadd.f32 v35, v34;
	v41 =	vld [tilespmem:$0x107B0];
	[tilespmem:$0x10AF0] =	vst v31  }
0x12d: {  	v42 =	vadd.f32 v46, v36;
	v43 =	vld [tilespmem:$0x109B0];
	[tilespmem:$0x10B00] =	vst v38  }
0x12e: {  	v44 =	vadd.f32 v49, v47;
	v45 =	vld [tilespmem:$0x107C0];
	[tilespmem:$0x10B10] =	vst v40  }
0x12f: {  	v47 =	vld [tilespmem:$0x109C0];
	[tilespmem:$0x10B20] =	vst v42;
	v58 =	vadd.f32 v39, v37  }
0x130: {  	v49 =	vld [tilespmem:$0x107D0];
	[tilespmem:$0x10B30] =	vst v44;
	v46 =	vadd.f32 v53, v51  }
0x131: {  	[tilespmem:$0x10BA0] =	vst v58;
	v48 =	vadd.f32 v57, v55;
	v51 =	vld [tilespmem:$0x109D0]  }
0x132: {  	v50 =	vadd.f32 v61, v59;
	v53 =	vld [tilespmem:$0x107E0];
	[tilespmem:$0x10B40] =	vst v46  }
0x133: {  	v52 =	vadd.f32 v21, v63;
	v55 =	vld [tilespmem:$0x109E0];
	[tilespmem:$0x10B50] =	vst v48  }
0x134: {  	v54 =	vadd.f32 v25, v23;
	v57 =	vld [tilespmem:$0x107F0];
	[tilespmem:$0x10B60] =	vst v50  }
0x135: {  	v56 =	vadd.f32 v29, v27;
	v59 =	vld [tilespmem:$0x109F0];
	[tilespmem:$0x10B70] =	vst v52  }
0x136: {  	v1 =	vadd.f32 v43, v41;
	[tilespmem:$0x10B80] =	vst v54  }
0x137: {  	v60 =	vadd.f32 v47, v45;
	[tilespmem:$0x10B90] =	vst v56  }
0x138: {  	[tilespmem:$0x10BB0] =	vst v1;
	v61 =	vadd.f32 v51, v49  }
0x139: {  	[tilespmem:$0x10BC0] =	vst v60;
	v62 =	vadd.f32 v55, v53  }
0x13a: {  	s20 =	sadd.s32 $0x1, s20;
	v63 =	vadd.f32 v59, v57;
	[tilespmem:$0x10BD0] =	vst v61  }
0x13b: {  	p0 =	sne.s32 s20, s9;
	[tilespmem:$0x10BE0] =	vst v62  }
.Ltmp4:
0x13c: {  	[tilespmem:$0x10BF0] =	vst v63;
	(pc) =	sbr.rel @p0 .LBB2_1-.Ltmp4, $4  }
0x13d: {  	[hbm4b:s8+s2] =	stream.linear.scatter [tilespmem:s18], [sflag:$0x4], $0x200, $0x38;
	[tilespmem:$0x10C10] =	vst v63  }
0x13e: {  	_ =	swait.ge [sflag:s10], $0x200  }
0x13f: {  	[sflag:s10] =	ssyncset.done $0x0  }
0x140: {  	[sflag:s10] =	ssyncadd.s32 $0xFFFFFE00  }
0x141: {  	_ =	sfence.sel $0x180000  }
0x142: {  	[bflag:$0x0] =	sbarrier.arrive $0xFFFF  }
0x143: {  	_ =	strace $0x90000047  }
0x144: {  	s0 =	stileid.u32;
	[bflag:$0x2] =	sbarrier.arrive $0xFFFF  }
0x145: {  	p0 =	sne.s32 s0, $0x0;
	s0 =	rddreg [dreg:$0x2]  }
0x146: {  	s0 =	sadd.s32 @!p0 $0x100000, s0  }
0x147: {  	[sflag:s0] =	ssyncadd.tile.s32 @!p0 $0x1;
	_ =	shalt  }
.Lfunc_end2:
_tile_overlayer_lowered:
.L_overlay_start_2:
0x148: {  	(tag) =	ssettag $0x2  }
0x149: {  	s0 =	rddreg [dreg:$0x0];
	s2 =	stileid.u32  }
0x14a: {  	s1 =	rddreg [dreg:$0x1];
	p0 =	sne.s32 s2, $0x0  }
0x14b: {  	s3 =	rddreg [dreg:$0x2];
	[bflag:$0x3] =	sbarrier.arrive $0xFFFF;
	s2 =	simm.s32 @!p0 $0x1C04  }
0x14c: {  	[timem:s3], [sflag:s2] =	dma.local @!p0 [hbm:s0], s1  }
0x14d: {  	s0 =	simm.s32 @!p0 $0x4  }
0x14e: {  	_ =	swait.ge @!p0 [sflag:s0], s1  }
0x14f: {  	s1 =	ssub.s32 @!p0 $0x0, s1;
	[sflag:s0] =	ssyncset.done @!p0 $0x0  }
0x150: {  	[sflag:s0] =	ssyncadd.s32 @!p0 s1  }
0x151: {  	[bflag:$0x3] =	sbarrier.arrive $0xFFFF  }
0x152: {  	_ =	shalt  }

</sc_bundles>
